<compile_context>
chip_gen: v7x
topology: tpu7x:2x2x1
jax: 0.10.2.dev20260603
libtpu: 0.0.44.dev20260713+nightly
codegen_flags: <defaults>
</compile_context>

<pallas_src>
import functools

import jax
import jax.numpy as jnp
from jax import lax
from jax.experimental import pallas as pl
from jax.experimental.pallas import tpu as pltpu
from jax.experimental.pallas import tpu_sc as plsc

_VOCAB = 32000
_HIDDEN = 4096
_BATCH = 2
_SEQ = 2048
_B = _BATCH * _SEQ
_NC = 2
_NS = 16
_NW = _NC * _NS
_BPW = _B // _NW
_CHUNK = 8
_NBUF = 3
_NSTEP = _BPW // _CHUNK
_G = (_NSTEP - _NBUF) // _NBUF

_mesh = plsc.VectorSubcoreMesh(core_axis_name="c", subcore_axis_name="s")


@functools.partial(
    pl.kernel,
    out_type=jax.ShapeDtypeStruct((_B, _HIDDEN), jnp.float32),
    mesh=_mesh,
    scratch_types=[
        pltpu.VMEM((_BPW,), jnp.int32),
        pltpu.VMEM((_NBUF, _CHUNK, _HIDDEN), jnp.float32),
        pltpu.SemaphoreType.DMA((_NBUF,)),
        pltpu.SemaphoreType.DMA((_NBUF,)),
    ],
)
def _embed_gather(idx_hbm, table_hbm, out_hbm, idx_v, rows_v, gsem, ssem):
    wid = lax.axis_index("s") * _NC + lax.axis_index("c")
    base = wid * _BPW
    pltpu.sync_copy(idx_hbm.at[pl.ds(base, _BPW)], idx_v)

    def g_copy(c, b):
        return pltpu.make_async_copy(
            table_hbm.at[idx_v.at[pl.ds(c * _CHUNK, _CHUNK)]],
            rows_v.at[b], gsem.at[b])

    def s_copy(c, b):
        return pltpu.make_async_copy(
            rows_v.at[b], out_hbm.at[pl.ds(base + c * _CHUNK, _CHUNK)],
            ssem.at[b])

    for b in range(_NBUF):
        g_copy(b, b).start()

    for c in (0, 1):
        g_copy(c, c % _NBUF).wait()
        s_copy(c, c % _NBUF).start()

    def outer(g, _):
        for b in range(_NBUF):
            c3 = g * _NBUF + 2 + b
            bc = (2 + b) % _NBUF
            g_copy(c3, bc).wait()
            s_copy(c3, bc).start()
            bp = b % _NBUF
            s_copy(c3 - 2, bp).wait()
            g_copy(c3 + 1, bp).start()
        return ()

    lax.fori_loop(0, 4, outer, ())

    g_copy(14, 14 % _NBUF).wait()
    s_copy(14, 14 % _NBUF).start()
    s_copy(12, 12 % _NBUF).wait()
    g_copy(15, 15 % _NBUF).start()
    g_copy(15, 15 % _NBUF).wait()
    s_copy(15, 15 % _NBUF).start()
    for c in (13, 14, 15):
        s_copy(c, c % _NBUF).wait()


def kernel(inputs, embed_weight):
    input_ids = inputs[..., 0].reshape(_B)
    attention_mask = inputs[..., 1]
    out = _embed_gather(input_ids, embed_weight)
    return out.reshape(_BATCH, _SEQ, _HIDDEN), attention_mask

# --- scband reference (transcript-rebuilt; emitter-appended) ---
"""Pipeline reference for scband-mixtral-enter-3401614098522 (READ-ONLY COPY).

The authoritative reference and input builder live on the scoring server;
editing this copy changes nothing except your own understanding.
"""

import jax, jax.numpy as jnp
import numpy as np

VOCAB = 32000
HIDDEN = 4096
PAD = 0
BATCH = 2
SEQ = 2048
STD = 0.02


def setup_inputs(seed: int = 0) -> dict:
    key = jax.random.key(seed)
    k_inp, k_w = jax.random.split(key)
    # inputs[..., 0] = input_ids, inputs[..., 1] = attention_mask channel
    inputs = jax.random.randint(k_inp, (BATCH, SEQ, 2), 0, VOCAB, dtype=jnp.int32)
    # Embedding table initialized like init_weights: normal(0, std), pad row zeroed
    embed_weight = jax.random.normal(k_w, (VOCAB, HIDDEN), dtype=jnp.float32) * STD
    embed_weight = embed_weight.at[PAD].set(0.0)
    return {"inputs": inputs, "embed_weight": embed_weight}


def reference(inputs, embed_weight):
    # Faithful translation of MixtralEnter.forward
    input_ids = inputs[..., 0]
    attention_mask = inputs[..., 1]
    inputs_embeds = jnp.take(embed_weight, input_ids, axis=0)
    hidden_states = inputs_embeds
    return (hidden_states, attention_mask)

if __name__ == "__main__":
    import jax
    _d = setup_inputs()
    print(jax.jit(kernel)(*tuple(_d.values())))

</pallas_src>

<mosaic_0001>
#map = affine_map<(d0, d1) -> (0)>
#map1 = affine_map<(d0, d1) -> (0, 0)>
module attributes {stable_mosaic.version = 14 : i64} {
  func.func @_embed_gather(%arg0: i32, %arg1: i32, %arg2: memref<4096xi32, #tpu.memory_space<hbm>>, %arg3: memref<32000x4096xf32, #tpu.memory_space<hbm>>, %arg4: memref<4096x4096xf32, #tpu.memory_space<hbm>>, %arg5: memref<128xi32, #tpu.memory_space<vmem>>, %arg6: memref<3x8x4096xf32, #tpu.memory_space<vmem>>, %arg7: memref<3x!tpu.dma_semaphore, #tpu.memory_space<semaphore_mem>>, %arg8: memref<3x!tpu.dma_semaphore, #tpu.memory_space<semaphore_mem>>) attributes {dimension_semantics = [#tpu.dimension_semantics<core_parallel>, #tpu.dimension_semantics<subcore_parallel>], iteration_bounds = array<i64: 2, 16>, scalar_prefetch = 0 : i64, scratch_operands = 4 : i64, tpu.core_type = #tpu.core_type<sc_vector_subcore>, window_params = [{transform_indices = #map}, {transform_indices = #map1}, {transform_indices = #map1}]} {
    %mul3A = arith.constant 2 : i32
    %mul3A_0 = arith.muli %arg1, %mul3A : i32
    %add3A = arith.addi %mul3A_0, %arg0 : i32
    %mul3A_1 = arith.constant 128 : i32
    %mul3A_2 = arith.muli %add3A, %mul3A_1 : i32
    "tpu.region"() ({
      %run_scoped3A = tpu.sem_alloc : memref<!tpu.dma_semaphore, #tpu.memory_space<semaphore_mem>>
      %dma_start3A_253 = tpu.memref_slice %arg2[%mul3A_2] : memref<4096xi32, #tpu.memory_space<hbm>> -> memref<128xi32, #tpu.memory_space<hbm>>
      %dma_start3A_254 = tpu.memref_slice %arg2[%mul3A_2] : memref<4096xi32, #tpu.memory_space<hbm>> -> memref<128xi32, #tpu.memory_space<hbm>>
      tpu.enqueue_dma source(%dma_start3A_254 : memref<128xi32, #tpu.memory_space<hbm>>) target(%arg5 : memref<128xi32, #tpu.memory_space<vmem>>) target_semaphore(%run_scoped3A : memref<!tpu.dma_semaphore, #tpu.memory_space<semaphore_mem>>)
      %dma_wait3A_255 = tpu.memref_slice %arg2[%mul3A_2] : memref<4096xi32, #tpu.memory_space<hbm>> -> memref<128xi32, #tpu.memory_space<hbm>>
      %dma_wait3A_256 = tpu.memref_slice %arg2[%mul3A_2] : memref<4096xi32, #tpu.memory_space<hbm>> -> memref<128xi32, #tpu.memory_space<hbm>>
      tpu.wait_dma2 semaphore(%run_scoped3A : memref<!tpu.dma_semaphore, #tpu.memory_space<semaphore_mem>>) src(%dma_wait3A_256 : memref<128xi32, #tpu.memory_space<hbm>>) dst(%arg5 : memref<128xi32, #tpu.memory_space<vmem>>)
      tpu.yield
    }) : () -> ()
    %dma_start3A = arith.constant 0 : i32
    %dma_start3A_3 = arith.constant 0 : i32
    %dma_start3A_4 = arith.constant 0 : i32
    %dma_start3A_5 = arith.constant 0 : i32
    %dma_start3A_6 = tpu.memref_slice %arg6[%dma_start3A, %dma_start3A_4, %dma_start3A_5] : memref<3x8x4096xf32, #tpu.memory_space<vmem>> -> memref<1x8x4096xf32, #tpu.memory_space<vmem>>
    %dma_start3A_7 = tpu.memref_squeeze %dma_start3A_6 : memref<1x8x4096xf32, #tpu.memory_space<vmem>> -> memref<8x4096xf32, #tpu.memory_space<vmem>>
    %dma_start3A_8 = arith.constant 0 : i32
    %dma_start3A_9 = tpu.memref_slice %arg5[%dma_start3A_8] : memref<128xi32, #tpu.memory_space<vmem>> -> memref<8xi32, #tpu.memory_space<vmem>>
    %dma_start3A_10 = arith.constant 0 : i32
    %dma_start3A_11 = arith.constant 0 : i32
    %dma_start3A_12 = tpu.memref_slice %arg3[%dma_start3A_10, %dma_start3A_11] : memref<32000x4096xf32, #tpu.memory_space<hbm>> -> memref<32000x4096xf32, #tpu.memory_space<hbm>>
    %dma_start3A_13 = tpu.memref_slice %arg7[%dma_start3A_3] : memref<3x!tpu.dma_semaphore, #tpu.memory_space<semaphore_mem>> -> memref<1x!tpu.dma_semaphore, #tpu.memory_space<semaphore_mem>>
    %dma_start3A_14 = tpu.memref_squeeze %dma_start3A_13 : memref<1x!tpu.dma_semaphore, #tpu.memory_space<semaphore_mem>> -> memref<!tpu.dma_semaphore, #tpu.memory_space<semaphore_mem>>
    tpu.enqueue_indirect_dma source(%dma_start3A_12 : memref<32000x4096xf32, #tpu.memory_space<hbm>>) target(%dma_start3A_7 : memref<8x4096xf32, #tpu.memory_space<vmem>>) offsets(%dma_start3A_9 : memref<8xi32, #tpu.memory_space<vmem>>) semaphore(%dma_start3A_14 : memref<!tpu.dma_semaphore, #tpu.memory_space<semaphore_mem>>)
    %dma_start3A_15 = arith.constant 1 : i32
    %dma_start3A_16 = arith.constant 1 : i32
    %dma_start3A_17 = arith.constant 0 : i32
    %dma_start3A_18 = arith.constant 0 : i32
    %dma_start3A_19 = tpu.memref_slice %arg6[%dma_start3A_15, %dma_start3A_17, %dma_start3A_18] : memref<3x8x4096xf32, #tpu.memory_space<vmem>> -> memref<1x8x4096xf32, #tpu.memory_space<vmem>>
    %dma_start3A_20 = tpu.memref_squeeze %dma_start3A_19 : memref<1x8x4096xf32, #tpu.memory_space<vmem>> -> memref<8x4096xf32, #tpu.memory_space<vmem>>
    %dma_start3A_21 = arith.constant 8 : i32
    %dma_start3A_22 = tpu.memref_slice %arg5[%dma_start3A_21] : memref<128xi32, #tpu.memory_space<vmem>> -> memref<8xi32, #tpu.memory_space<vmem>>
    %dma_start3A_23 = arith.constant 0 : i32
    %dma_start3A_24 = arith.constant 0 : i32
    %dma_start3A_25 = tpu.memref_slice %arg3[%dma_start3A_23, %dma_start3A_24] : memref<32000x4096xf32, #tpu.memory_space<hbm>> -> memref<32000x4096xf32, #tpu.memory_space<hbm>>
    %dma_start3A_26 = tpu.memref_slice %arg7[%dma_start3A_16] : memref<3x!tpu.dma_semaphore, #tpu.memory_space<semaphore_mem>> -> memref<1x!tpu.dma_semaphore, #tpu.memory_space<semaphore_mem>>
    %dma_start3A_27 = tpu.memref_squeeze %dma_start3A_26 : memref<1x!tpu.dma_semaphore, #tpu.memory_space<semaphore_mem>> -> memref<!tpu.dma_semaphore, #tpu.memory_space<semaphore_mem>>
    tpu.enqueue_indirect_dma source(%dma_start3A_25 : memref<32000x4096xf32, #tpu.memory_space<hbm>>) target(%dma_start3A_20 : memref<8x4096xf32, #tpu.memory_space<vmem>>) offsets(%dma_start3A_22 : memref<8xi32, #tpu.memory_space<vmem>>) semaphore(%dma_start3A_27 : memref<!tpu.dma_semaphore, #tpu.memory_space<semaphore_mem>>)
    %dma_start3A_28 = arith.constant 2 : i32
    %dma_start3A_29 = arith.constant 2 : i32
    %dma_start3A_30 = arith.constant 0 : i32
    %dma_start3A_31 = arith.constant 0 : i32
    %dma_start3A_32 = tpu.memref_slice %arg6[%dma_start3A_28, %dma_start3A_30, %dma_start3A_31] : memref<3x8x4096xf32, #tpu.memory_space<vmem>> -> memref<1x8x4096xf32, #tpu.memory_space<vmem>>
    %dma_start3A_33 = tpu.memref_squeeze %dma_start3A_32 : memref<1x8x4096xf32, #tpu.memory_space<vmem>> -> memref<8x4096xf32, #tpu.memory_space<vmem>>
    %dma_start3A_34 = arith.constant 16 : i32
    %dma_start3A_35 = tpu.memref_slice %arg5[%dma_start3A_34] : memref<128xi32, #tpu.memory_space<vmem>> -> memref<8xi32, #tpu.memory_space<vmem>>
    %dma_start3A_36 = arith.constant 0 : i32
    %dma_start3A_37 = arith.constant 0 : i32
    %dma_start3A_38 = tpu.memref_slice %arg3[%dma_start3A_36, %dma_start3A_37] : memref<32000x4096xf32, #tpu.memory_space<hbm>> -> memref<32000x4096xf32, #tpu.memory_space<hbm>>
    %dma_start3A_39 = tpu.memref_slice %arg7[%dma_start3A_29] : memref<3x!tpu.dma_semaphore, #tpu.memory_space<semaphore_mem>> -> memref<1x!tpu.dma_semaphore, #tpu.memory_space<semaphore_mem>>
    %dma_start3A_40 = tpu.memref_squeeze %dma_start3A_39 : memref<1x!tpu.dma_semaphore, #tpu.memory_space<semaphore_mem>> -> memref<!tpu.dma_semaphore, #tpu.memory_space<semaphore_mem>>
    tpu.enqueue_indirect_dma source(%dma_start3A_38 : memref<32000x4096xf32, #tpu.memory_space<hbm>>) target(%dma_start3A_33 : memref<8x4096xf32, #tpu.memory_space<vmem>>) offsets(%dma_start3A_35 : memref<8xi32, #tpu.memory_space<vmem>>) semaphore(%dma_start3A_40 : memref<!tpu.dma_semaphore, #tpu.memory_space<semaphore_mem>>)
    %dma_wait3A = arith.constant 0 : i32
    %dma_wait3A_41 = arith.constant 0 : i32
    %dma_wait3A_42 = arith.constant 0 : i32
    %dma_wait3A_43 = arith.constant 0 : i32
    %dma_wait3A_44 = tpu.memref_slice %arg6[%dma_wait3A, %dma_wait3A_42, %dma_wait3A_43] : memref<3x8x4096xf32, #tpu.memory_space<vmem>> -> memref<1x8x4096xf32, #tpu.memory_space<vmem>>
    %dma_wait3A_45 = tpu.memref_squeeze %dma_wait3A_44 : memref<1x8x4096xf32, #tpu.memory_space<vmem>> -> memref<8x4096xf32, #tpu.memory_space<vmem>>
    %dma_wait3A_46 = arith.constant 0 : i32
    %dma_wait3A_47 = tpu.memref_slice %arg5[%dma_wait3A_46] : memref<128xi32, #tpu.memory_space<vmem>> -> memref<8xi32, #tpu.memory_space<vmem>>
    %dma_wait3A_48 = arith.constant 0 : i32
    %dma_wait3A_49 = arith.constant 0 : i32
    %dma_wait3A_50 = tpu.memref_slice %arg3[%dma_wait3A_48, %dma_wait3A_49] : memref<32000x4096xf32, #tpu.memory_space<hbm>> -> memref<32000x4096xf32, #tpu.memory_space<hbm>>
    %dma_wait3A_51 = tpu.memref_slice %arg7[%dma_wait3A_41] : memref<3x!tpu.dma_semaphore, #tpu.memory_space<semaphore_mem>> -> memref<1x!tpu.dma_semaphore, #tpu.memory_space<semaphore_mem>>
    %dma_wait3A_52 = tpu.memref_squeeze %dma_wait3A_51 : memref<1x!tpu.dma_semaphore, #tpu.memory_space<semaphore_mem>> -> memref<!tpu.dma_semaphore, #tpu.memory_space<semaphore_mem>>
    tpu.wait_indirect_dma semaphore(%dma_wait3A_52 : memref<!tpu.dma_semaphore, #tpu.memory_space<semaphore_mem>>) src(%dma_wait3A_50 : memref<32000x4096xf32, #tpu.memory_space<hbm>>) dst(%dma_wait3A_45 : memref<8x4096xf32, #tpu.memory_space<vmem>>)
    %add3A_53 = arith.constant 0 : i32
    %add3A_54 = arith.addi %mul3A_2, %add3A_53 : i32
    %dma_start3A_55 = arith.constant 0 : i32
    %dma_start3A_56 = arith.constant 0 : i32
    %dma_start3A_57 = arith.constant 0 : i32
    %dma_start3A_58 = arith.constant 0 : i32
    %dma_start3A_59 = tpu.memref_slice %arg6[%dma_start3A_55, %dma_start3A_57, %dma_start3A_58] : memref<3x8x4096xf32, #tpu.memory_space<vmem>> -> memref<1x8x4096xf32, #tpu.memory_space<vmem>>
    %dma_start3A_60 = tpu.memref_squeeze %dma_start3A_59 : memref<1x8x4096xf32, #tpu.memory_space<vmem>> -> memref<8x4096xf32, #tpu.memory_space<vmem>>
    %dma_start3A_61 = arith.constant 0 : i32
    %dma_start3A_62 = tpu.memref_slice %arg4[%add3A_54, %dma_start3A_61] : memref<4096x4096xf32, #tpu.memory_space<hbm>> -> memref<8x4096xf32, #tpu.memory_space<hbm>>
    %dma_start3A_63 = tpu.memref_slice %arg8[%dma_start3A_56] : memref<3x!tpu.dma_semaphore, #tpu.memory_space<semaphore_mem>> -> memref<1x!tpu.dma_semaphore, #tpu.memory_space<semaphore_mem>>
    %dma_start3A_64 = tpu.memref_squeeze %dma_start3A_63 : memref<1x!tpu.dma_semaphore, #tpu.memory_space<semaphore_mem>> -> memref<!tpu.dma_semaphore, #tpu.memory_space<semaphore_mem>>
    %dma_start3A_65 = arith.constant 0 : i32
    %dma_start3A_66 = tpu.memref_slice %arg4[%add3A_54, %dma_start3A_65] : memref<4096x4096xf32, #tpu.memory_space<hbm>> -> memref<8x4096xf32, #tpu.memory_space<hbm>>
    %dma_start3A_67 = arith.constant 0 : i32
    %dma_start3A_68 = arith.constant 0 : i32
    %dma_start3A_69 = tpu.memref_slice %arg6[%dma_start3A_55, %dma_start3A_67, %dma_start3A_68] : memref<3x8x4096xf32, #tpu.memory_space<vmem>> -> memref<1x8x4096xf32, #tpu.memory_space<vmem>>
    %dma_start3A_70 = tpu.memref_squeeze %dma_start3A_69 : memref<1x8x4096xf32, #tpu.memory_space<vmem>> -> memref<8x4096xf32, #tpu.memory_space<vmem>>
    tpu.enqueue_dma source(%dma_start3A_70 : memref<8x4096xf32, #tpu.memory_space<vmem>>) target(%dma_start3A_66 : memref<8x4096xf32, #tpu.memory_space<hbm>>) target_semaphore(%dma_start3A_64 : memref<!tpu.dma_semaphore, #tpu.memory_space<semaphore_mem>>)
    %dma_wait3A_71 = arith.constant 1 : i32
    %dma_wait3A_72 = arith.constant 1 : i32
    %dma_wait3A_73 = arith.constant 0 : i32
    %dma_wait3A_74 = arith.constant 0 : i32
    %dma_wait3A_75 = tpu.memref_slice %arg6[%dma_wait3A_71, %dma_wait3A_73, %dma_wait3A_74] : memref<3x8x4096xf32, #tpu.memory_space<vmem>> -> memref<1x8x4096xf32, #tpu.memory_space<vmem>>
    %dma_wait3A_76 = tpu.memref_squeeze %dma_wait3A_75 : memref<1x8x4096xf32, #tpu.memory_space<vmem>> -> memref<8x4096xf32, #tpu.memory_space<vmem>>
    %dma_wait3A_77 = arith.constant 8 : i32
    %dma_wait3A_78 = tpu.memref_slice %arg5[%dma_wait3A_77] : memref<128xi32, #tpu.memory_space<vmem>> -> memref<8xi32, #tpu.memory_space<vmem>>
    %dma_wait3A_79 = arith.constant 0 : i32
    %dma_wait3A_80 = arith.constant 0 : i32
    %dma_wait3A_81 = tpu.memref_slice %arg3[%dma_wait3A_79, %dma_wait3A_80] : memref<32000x4096xf32, #tpu.memory_space<hbm>> -> memref<32000x4096xf32, #tpu.memory_space<hbm>>
    %dma_wait3A_82 = tpu.memref_slice %arg7[%dma_wait3A_72] : memref<3x!tpu.dma_semaphore, #tpu.memory_space<semaphore_mem>> -> memref<1x!tpu.dma_semaphore, #tpu.memory_space<semaphore_mem>>
    %dma_wait3A_83 = tpu.memref_squeeze %dma_wait3A_82 : memref<1x!tpu.dma_semaphore, #tpu.memory_space<semaphore_mem>> -> memref<!tpu.dma_semaphore, #tpu.memory_space<semaphore_mem>>
    tpu.wait_indirect_dma semaphore(%dma_wait3A_83 : memref<!tpu.dma_semaphore, #tpu.memory_space<semaphore_mem>>) src(%dma_wait3A_81 : memref<32000x4096xf32, #tpu.memory_space<hbm>>) dst(%dma_wait3A_76 : memref<8x4096xf32, #tpu.memory_space<vmem>>)
    %add3A_84 = arith.constant 8 : i32
    %add3A_85 = arith.addi %mul3A_2, %add3A_84 : i32
    %dma_start3A_86 = arith.constant 1 : i32
    %dma_start3A_87 = arith.constant 1 : i32
    %dma_start3A_88 = arith.constant 0 : i32
    %dma_start3A_89 = arith.constant 0 : i32
    %dma_start3A_90 = tpu.memref_slice %arg6[%dma_start3A_86, %dma_start3A_88, %dma_start3A_89] : memref<3x8x4096xf32, #tpu.memory_space<vmem>> -> memref<1x8x4096xf32, #tpu.memory_space<vmem>>
    %dma_start3A_91 = tpu.memref_squeeze %dma_start3A_90 : memref<1x8x4096xf32, #tpu.memory_space<vmem>> -> memref<8x4096xf32, #tpu.memory_space<vmem>>
    %dma_start3A_92 = arith.constant 0 : i32
    %dma_start3A_93 = tpu.memref_slice %arg4[%add3A_85, %dma_start3A_92] : memref<4096x4096xf32, #tpu.memory_space<hbm>> -> memref<8x4096xf32, #tpu.memory_space<hbm>>
    %dma_start3A_94 = tpu.memref_slice %arg8[%dma_start3A_87] : memref<3x!tpu.dma_semaphore, #tpu.memory_space<semaphore_mem>> -> memref<1x!tpu.dma_semaphore, #tpu.memory_space<semaphore_mem>>
    %dma_start3A_95 = tpu.memref_squeeze %dma_start3A_94 : memref<1x!tpu.dma_semaphore, #tpu.memory_space<semaphore_mem>> -> memref<!tpu.dma_semaphore, #tpu.memory_space<semaphore_mem>>
    %dma_start3A_96 = arith.constant 0 : i32
    %dma_start3A_97 = tpu.memref_slice %arg4[%add3A_85, %dma_start3A_96] : memref<4096x4096xf32, #tpu.memory_space<hbm>> -> memref<8x4096xf32, #tpu.memory_space<hbm>>
    %dma_start3A_98 = arith.constant 0 : i32
    %dma_start3A_99 = arith.constant 0 : i32
    %dma_start3A_100 = tpu.memref_slice %arg6[%dma_start3A_86, %dma_start3A_98, %dma_start3A_99] : memref<3x8x4096xf32, #tpu.memory_space<vmem>> -> memref<1x8x4096xf32, #tpu.memory_space<vmem>>
    %dma_start3A_101 = tpu.memref_squeeze %dma_start3A_100 : memref<1x8x4096xf32, #tpu.memory_space<vmem>> -> memref<8x4096xf32, #tpu.memory_space<vmem>>
    tpu.enqueue_dma source(%dma_start3A_101 : memref<8x4096xf32, #tpu.memory_space<vmem>>) target(%dma_start3A_97 : memref<8x4096xf32, #tpu.memory_space<hbm>>) target_semaphore(%dma_start3A_95 : memref<!tpu.dma_semaphore, #tpu.memory_space<semaphore_mem>>)
    %scan3A = arith.constant 0 : i32
    %scan3A_102 = arith.constant 4 : i32
    %scan3A_103 = arith.addi %scan3A, %scan3A_102 : i32
    %scan3A_104 = arith.constant 1 : i32
    scf.for %scan3A_253 = %scan3A to %scan3A_103 step %scan3A_104  : i32 {
      %mul3A_254 = arith.constant 3 : i32
      %mul3A_255 = arith.muli %scan3A_253, %mul3A_254 : i32
      %add3A_256 = arith.constant 2 : i32
      %add3A_257 = arith.addi %mul3A_255, %add3A_256 : i32
      %add3A_258 = arith.constant 0 : i32
      %add3A_259 = arith.addi %add3A_257, %add3A_258 : i32
      %mul3A_260 = arith.constant 8 : i32
      %mul3A_261 = arith.muli %add3A_259, %mul3A_260 : i32
      %dma_wait3A_262 = arith.constant 2 : i32
      %dma_wait3A_263 = arith.constant 2 : i32
      %dma_wait3A_264 = arith.constant 0 : i32
      %dma_wait3A_265 = arith.constant 0 : i32
      %dma_wait3A_266 = tpu.memref_slice %arg6[%dma_wait3A_262, %dma_wait3A_264, %dma_wait3A_265] : memref<3x8x4096xf32, #tpu.memory_space<vmem>> -> memref<1x8x4096xf32, #tpu.memory_space<vmem>>
      %dma_wait3A_267 = tpu.memref_squeeze %dma_wait3A_266 : memref<1x8x4096xf32, #tpu.memory_space<vmem>> -> memref<8x4096xf32, #tpu.memory_space<vmem>>
      %dma_wait3A_268 = tpu.memref_slice %arg5[%mul3A_261] : memref<128xi32, #tpu.memory_space<vmem>> -> memref<8xi32, #tpu.memory_space<vmem>>
      %dma_wait3A_269 = arith.constant 0 : i32
      %dma_wait3A_270 = arith.constant 0 : i32
      %dma_wait3A_271 = tpu.memref_slice %arg3[%dma_wait3A_269, %dma_wait3A_270] : memref<32000x4096xf32, #tpu.memory_space<hbm>> -> memref<32000x4096xf32, #tpu.memory_space<hbm>>
      %dma_wait3A_272 = tpu.memref_slice %arg7[%dma_wait3A_263] : memref<3x!tpu.dma_semaphore, #tpu.memory_space<semaphore_mem>> -> memref<1x!tpu.dma_semaphore, #tpu.memory_space<semaphore_mem>>
      %dma_wait3A_273 = tpu.memref_squeeze %dma_wait3A_272 : memref<1x!tpu.dma_semaphore, #tpu.memory_space<semaphore_mem>> -> memref<!tpu.dma_semaphore, #tpu.memory_space<semaphore_mem>>
      tpu.wait_indirect_dma semaphore(%dma_wait3A_273 : memref<!tpu.dma_semaphore, #tpu.memory_space<semaphore_mem>>) src(%dma_wait3A_271 : memref<32000x4096xf32, #tpu.memory_space<hbm>>) dst(%dma_wait3A_267 : memref<8x4096xf32, #tpu.memory_space<vmem>>)
      %mul3A_274 = arith.constant 8 : i32
      %mul3A_275 = arith.muli %add3A_259, %mul3A_274 : i32
      %add3A_276 = arith.addi %mul3A_2, %mul3A_275 : i32
      %dma_start3A_277 = arith.constant 2 : i32
      %dma_start3A_278 = arith.constant 2 : i32
      %dma_start3A_279 = arith.constant 0 : i32
      %dma_start3A_280 = arith.constant 0 : i32
      %dma_start3A_281 = tpu.memref_slice %arg6[%dma_start3A_277, %dma_start3A_279, %dma_start3A_280] : memref<3x8x4096xf32, #tpu.memory_space<vmem>> -> memref<1x8x4096xf32, #tpu.memory_space<vmem>>
      %dma_start3A_282 = tpu.memref_squeeze %dma_start3A_281 : memref<1x8x4096xf32, #tpu.memory_space<vmem>> -> memref<8x4096xf32, #tpu.memory_space<vmem>>
      %dma_start3A_283 = arith.constant 0 : i32
      %dma_start3A_284 = tpu.memref_slice %arg4[%add3A_276, %dma_start3A_283] : memref<4096x4096xf32, #tpu.memory_space<hbm>> -> memref<8x4096xf32, #tpu.memory_space<hbm>>
      %dma_start3A_285 = tpu.memref_slice %arg8[%dma_start3A_278] : memref<3x!tpu.dma_semaphore, #tpu.memory_space<semaphore_mem>> -> memref<1x!tpu.dma_semaphore, #tpu.memory_space<semaphore_mem>>
      %dma_start3A_286 = tpu.memref_squeeze %dma_start3A_285 : memref<1x!tpu.dma_semaphore, #tpu.memory_space<semaphore_mem>> -> memref<!tpu.dma_semaphore, #tpu.memory_space<semaphore_mem>>
      %dma_start3A_287 = arith.constant 0 : i32
      %dma_start3A_288 = tpu.memref_slice %arg4[%add3A_276, %dma_start3A_287] : memref<4096x4096xf32, #tpu.memory_space<hbm>> -> memref<8x4096xf32, #tpu.memory_space<hbm>>
      %dma_start3A_289 = arith.constant 0 : i32
      %dma_start3A_290 = arith.constant 0 : i32
      %dma_start3A_291 = tpu.memref_slice %arg6[%dma_start3A_277, %dma_start3A_289, %dma_start3A_290] : memref<3x8x4096xf32, #tpu.memory_space<vmem>> -> memref<1x8x4096xf32, #tpu.memory_space<vmem>>
      %dma_start3A_292 = tpu.memref_squeeze %dma_start3A_291 : memref<1x8x4096xf32, #tpu.memory_space<vmem>> -> memref<8x4096xf32, #tpu.memory_space<vmem>>
      tpu.enqueue_dma source(%dma_start3A_292 : memref<8x4096xf32, #tpu.memory_space<vmem>>) target(%dma_start3A_288 : memref<8x4096xf32, #tpu.memory_space<hbm>>) target_semaphore(%dma_start3A_286 : memref<!tpu.dma_semaphore, #tpu.memory_space<semaphore_mem>>)
      %sub3A = arith.constant 2 : i32
      %sub3A_293 = arith.subi %add3A_259, %sub3A : i32
      %mul3A_294 = arith.constant 8 : i32
      %mul3A_295 = arith.muli %sub3A_293, %mul3A_294 : i32
      %add3A_296 = arith.addi %mul3A_2, %mul3A_295 : i32
      %dma_wait3A_297 = arith.constant 0 : i32
      %dma_wait3A_298 = arith.constant 0 : i32
      %dma_wait3A_299 = arith.constant 0 : i32
      %dma_wait3A_300 = arith.constant 0 : i32
      %dma_wait3A_301 = tpu.memref_slice %arg6[%dma_wait3A_297, %dma_wait3A_299, %dma_wait3A_300] : memref<3x8x4096xf32, #tpu.memory_space<vmem>> -> memref<1x8x4096xf32, #tpu.memory_space<vmem>>
      %dma_wait3A_302 = tpu.memref_squeeze %dma_wait3A_301 : memref<1x8x4096xf32, #tpu.memory_space<vmem>> -> memref<8x4096xf32, #tpu.memory_space<vmem>>
      %dma_wait3A_303 = arith.constant 0 : i32
      %dma_wait3A_304 = tpu.memref_slice %arg4[%add3A_296, %dma_wait3A_303] : memref<4096x4096xf32, #tpu.memory_space<hbm>> -> memref<8x4096xf32, #tpu.memory_space<hbm>>
      %dma_wait3A_305 = tpu.memref_slice %arg8[%dma_wait3A_298] : memref<3x!tpu.dma_semaphore, #tpu.memory_space<semaphore_mem>> -> memref<1x!tpu.dma_semaphore, #tpu.memory_space<semaphore_mem>>
      %dma_wait3A_306 = tpu.memref_squeeze %dma_wait3A_305 : memref<1x!tpu.dma_semaphore, #tpu.memory_space<semaphore_mem>> -> memref<!tpu.dma_semaphore, #tpu.memory_space<semaphore_mem>>
      %dma_wait3A_307 = arith.constant 0 : i32
      %dma_wait3A_308 = tpu.memref_slice %arg4[%add3A_296, %dma_wait3A_307] : memref<4096x4096xf32, #tpu.memory_space<hbm>> -> memref<8x4096xf32, #tpu.memory_space<hbm>>
      %dma_wait3A_309 = arith.constant 0 : i32
      %dma_wait3A_310 = arith.constant 0 : i32
      %dma_wait3A_311 = tpu.memref_slice %arg6[%dma_wait3A_297, %dma_wait3A_309, %dma_wait3A_310] : memref<3x8x4096xf32, #tpu.memory_space<vmem>> -> memref<1x8x4096xf32, #tpu.memory_space<vmem>>
      %dma_wait3A_312 = tpu.memref_squeeze %dma_wait3A_311 : memref<1x8x4096xf32, #tpu.memory_space<vmem>> -> memref<8x4096xf32, #tpu.memory_space<vmem>>
      tpu.wait_dma2 semaphore(%dma_wait3A_306 : memref<!tpu.dma_semaphore, #tpu.memory_space<semaphore_mem>>) src(%dma_wait3A_312 : memref<8x4096xf32, #tpu.memory_space<vmem>>) dst(%dma_wait3A_308 : memref<8x4096xf32, #tpu.memory_space<hbm>>)
      %add3A_313 = arith.constant 1 : i32
      %add3A_314 = arith.addi %add3A_259, %add3A_313 : i32
      %mul3A_315 = arith.constant 8 : i32
      %mul3A_316 = arith.muli %add3A_314, %mul3A_315 : i32
      %dma_start3A_317 = arith.constant 0 : i32
      %dma_start3A_318 = arith.constant 0 : i32
      %dma_start3A_319 = arith.constant 0 : i32
      %dma_start3A_320 = arith.constant 0 : i32
      %dma_start3A_321 = tpu.memref_slice %arg6[%dma_start3A_317, %dma_start3A_319, %dma_start3A_320] : memref<3x8x4096xf32, #tpu.memory_space<vmem>> -> memref<1x8x4096xf32, #tpu.memory_space<vmem>>
      %dma_start3A_322 = tpu.memref_squeeze %dma_start3A_321 : memref<1x8x4096xf32, #tpu.memory_space<vmem>> -> memref<8x4096xf32, #tpu.memory_space<vmem>>
      %dma_start3A_323 = tpu.memref_slice %arg5[%mul3A_316] : memref<128xi32, #tpu.memory_space<vmem>> -> memref<8xi32, #tpu.memory_space<vmem>>
      %dma_start3A_324 = arith.constant 0 : i32
      %dma_start3A_325 = arith.constant 0 : i32
      %dma_start3A_326 = tpu.memref_slice %arg3[%dma_start3A_324, %dma_start3A_325] : memref<32000x4096xf32, #tpu.memory_space<hbm>> -> memref<32000x4096xf32, #tpu.memory_space<hbm>>
      %dma_start3A_327 = tpu.memref_slice %arg7[%dma_start3A_318] : memref<3x!tpu.dma_semaphore, #tpu.memory_space<semaphore_mem>> -> memref<1x!tpu.dma_semaphore, #tpu.memory_space<semaphore_mem>>
      %dma_start3A_328 = tpu.memref_squeeze %dma_start3A_327 : memref<1x!tpu.dma_semaphore, #tpu.memory_space<semaphore_mem>> -> memref<!tpu.dma_semaphore, #tpu.memory_space<semaphore_mem>>
      tpu.enqueue_indirect_dma source(%dma_start3A_326 : memref<32000x4096xf32, #tpu.memory_space<hbm>>) target(%dma_start3A_322 : memref<8x4096xf32, #tpu.memory_space<vmem>>) offsets(%dma_start3A_323 : memref<8xi32, #tpu.memory_space<vmem>>) semaphore(%dma_start3A_328 : memref<!tpu.dma_semaphore, #tpu.memory_space<semaphore_mem>>)
      %mul3A_329 = arith.constant 3 : i32
      %mul3A_330 = arith.muli %scan3A_253, %mul3A_329 : i32
      %add3A_331 = arith.constant 2 : i32
      %add3A_332 = arith.addi %mul3A_330, %add3A_331 : i32
      %add3A_333 = arith.constant 1 : i32
      %add3A_334 = arith.addi %add3A_332, %add3A_333 : i32
      %mul3A_335 = arith.constant 8 : i32
      %mul3A_336 = arith.muli %add3A_334, %mul3A_335 : i32
      %dma_wait3A_337 = arith.constant 0 : i32
      %dma_wait3A_338 = arith.constant 0 : i32
      %dma_wait3A_339 = arith.constant 0 : i32
      %dma_wait3A_340 = arith.constant 0 : i32
      %dma_wait3A_341 = tpu.memref_slice %arg6[%dma_wait3A_337, %dma_wait3A_339, %dma_wait3A_340] : memref<3x8x4096xf32, #tpu.memory_space<vmem>> -> memref<1x8x4096xf32, #tpu.memory_space<vmem>>
      %dma_wait3A_342 = tpu.memref_squeeze %dma_wait3A_341 : memref<1x8x4096xf32, #tpu.memory_space<vmem>> -> memref<8x4096xf32, #tpu.memory_space<vmem>>
      %dma_wait3A_343 = tpu.memref_slice %arg5[%mul3A_336] : memref<128xi32, #tpu.memory_space<vmem>> -> memref<8xi32, #tpu.memory_space<vmem>>
      %dma_wait3A_344 = arith.constant 0 : i32
      %dma_wait3A_345 = arith.constant 0 : i32
      %dma_wait3A_346 = tpu.memref_slice %arg3[%dma_wait3A_344, %dma_wait3A_345] : memref<32000x4096xf32, #tpu.memory_space<hbm>> -> memref<32000x4096xf32, #tpu.memory_space<hbm>>
      %dma_wait3A_347 = tpu.memref_slice %arg7[%dma_wait3A_338] : memref<3x!tpu.dma_semaphore, #tpu.memory_space<semaphore_mem>> -> memref<1x!tpu.dma_semaphore, #tpu.memory_space<semaphore_mem>>
      %dma_wait3A_348 = tpu.memref_squeeze %dma_wait3A_347 : memref<1x!tpu.dma_semaphore, #tpu.memory_space<semaphore_mem>> -> memref<!tpu.dma_semaphore, #tpu.memory_space<semaphore_mem>>
      tpu.wait_indirect_dma semaphore(%dma_wait3A_348 : memref<!tpu.dma_semaphore, #tpu.memory_space<semaphore_mem>>) src(%dma_wait3A_346 : memref<32000x4096xf32, #tpu.memory_space<hbm>>) dst(%dma_wait3A_342 : memref<8x4096xf32, #tpu.memory_space<vmem>>)
      %mul3A_349 = arith.constant 8 : i32
      %mul3A_350 = arith.muli %add3A_334, %mul3A_349 : i32
      %add3A_351 = arith.addi %mul3A_2, %mul3A_350 : i32
      %dma_start3A_352 = arith.constant 0 : i32
      %dma_start3A_353 = arith.constant 0 : i32
      %dma_start3A_354 = arith.constant 0 : i32
      %dma_start3A_355 = arith.constant 0 : i32
      %dma_start3A_356 = tpu.memref_slice %arg6[%dma_start3A_352, %dma_start3A_354, %dma_start3A_355] : memref<3x8x4096xf32, #tpu.memory_space<vmem>> -> memref<1x8x4096xf32, #tpu.memory_space<vmem>>
      %dma_start3A_357 = tpu.memref_squeeze %dma_start3A_356 : memref<1x8x4096xf32, #tpu.memory_space<vmem>> -> memref<8x4096xf32, #tpu.memory_space<vmem>>
      %dma_start3A_358 = arith.constant 0 : i32
      %dma_start3A_359 = tpu.memref_slice %arg4[%add3A_351, %dma_start3A_358] : memref<4096x4096xf32, #tpu.memory_space<hbm>> -> memref<8x4096xf32, #tpu.memory_space<hbm>>
      %dma_start3A_360 = tpu.memref_slice %arg8[%dma_start3A_353] : memref<3x!tpu.dma_semaphore, #tpu.memory_space<semaphore_mem>> -> memref<1x!tpu.dma_semaphore, #tpu.memory_space<semaphore_mem>>
      %dma_start3A_361 = tpu.memref_squeeze %dma_start3A_360 : memref<1x!tpu.dma_semaphore, #tpu.memory_space<semaphore_mem>> -> memref<!tpu.dma_semaphore, #tpu.memory_space<semaphore_mem>>
      %dma_start3A_362 = arith.constant 0 : i32
      %dma_start3A_363 = tpu.memref_slice %arg4[%add3A_351, %dma_start3A_362] : memref<4096x4096xf32, #tpu.memory_space<hbm>> -> memref<8x4096xf32, #tpu.memory_space<hbm>>
      %dma_start3A_364 = arith.constant 0 : i32
      %dma_start3A_365 = arith.constant 0 : i32
      %dma_start3A_366 = tpu.memref_slice %arg6[%dma_start3A_352, %dma_start3A_364, %dma_start3A_365] : memref<3x8x4096xf32, #tpu.memory_space<vmem>> -> memref<1x8x4096xf32, #tpu.memory_space<vmem>>
      %dma_start3A_367 = tpu.memref_squeeze %dma_start3A_366 : memref<1x8x4096xf32, #tpu.memory_space<vmem>> -> memref<8x4096xf32, #tpu.memory_space<vmem>>
      tpu.enqueue_dma source(%dma_start3A_367 : memref<8x4096xf32, #tpu.memory_space<vmem>>) target(%dma_start3A_363 : memref<8x4096xf32, #tpu.memory_space<hbm>>) target_semaphore(%dma_start3A_361 : memref<!tpu.dma_semaphore, #tpu.memory_space<semaphore_mem>>)
      %sub3A_368 = arith.constant 2 : i32
      %sub3A_369 = arith.subi %add3A_334, %sub3A_368 : i32
      %mul3A_370 = arith.constant 8 : i32
      %mul3A_371 = arith.muli %sub3A_369, %mul3A_370 : i32
      %add3A_372 = arith.addi %mul3A_2, %mul3A_371 : i32
      %dma_wait3A_373 = arith.constant 1 : i32
      %dma_wait3A_374 = arith.constant 1 : i32
      %dma_wait3A_375 = arith.constant 0 : i32
      %dma_wait3A_376 = arith.constant 0 : i32
      %dma_wait3A_377 = tpu.memref_slice %arg6[%dma_wait3A_373, %dma_wait3A_375, %dma_wait3A_376] : memref<3x8x4096xf32, #tpu.memory_space<vmem>> -> memref<1x8x4096xf32, #tpu.memory_space<vmem>>
      %dma_wait3A_378 = tpu.memref_squeeze %dma_wait3A_377 : memref<1x8x4096xf32, #tpu.memory_space<vmem>> -> memref<8x4096xf32, #tpu.memory_space<vmem>>
      %dma_wait3A_379 = arith.constant 0 : i32
      %dma_wait3A_380 = tpu.memref_slice %arg4[%add3A_372, %dma_wait3A_379] : memref<4096x4096xf32, #tpu.memory_space<hbm>> -> memref<8x4096xf32, #tpu.memory_space<hbm>>
      %dma_wait3A_381 = tpu.memref_slice %arg8[%dma_wait3A_374] : memref<3x!tpu.dma_semaphore, #tpu.memory_space<semaphore_mem>> -> memref<1x!tpu.dma_semaphore, #tpu.memory_space<semaphore_mem>>
      %dma_wait3A_382 = tpu.memref_squeeze %dma_wait3A_381 : memref<1x!tpu.dma_semaphore, #tpu.memory_space<semaphore_mem>> -> memref<!tpu.dma_semaphore, #tpu.memory_space<semaphore_mem>>
      %dma_wait3A_383 = arith.constant 0 : i32
      %dma_wait3A_384 = tpu.memref_slice %arg4[%add3A_372, %dma_wait3A_383] : memref<4096x4096xf32, #tpu.memory_space<hbm>> -> memref<8x4096xf32, #tpu.memory_space<hbm>>
      %dma_wait3A_385 = arith.constant 0 : i32
      %dma_wait3A_386 = arith.constant 0 : i32
      %dma_wait3A_387 = tpu.memref_slice %arg6[%dma_wait3A_373, %dma_wait3A_385, %dma_wait3A_386] : memref<3x8x4096xf32, #tpu.memory_space<vmem>> -> memref<1x8x4096xf32, #tpu.memory_space<vmem>>
      %dma_wait3A_388 = tpu.memref_squeeze %dma_wait3A_387 : memref<1x8x4096xf32, #tpu.memory_space<vmem>> -> memref<8x4096xf32, #tpu.memory_space<vmem>>
      tpu.wait_dma2 semaphore(%dma_wait3A_382 : memref<!tpu.dma_semaphore, #tpu.memory_space<semaphore_mem>>) src(%dma_wait3A_388 : memref<8x4096xf32, #tpu.memory_space<vmem>>) dst(%dma_wait3A_384 : memref<8x4096xf32, #tpu.memory_space<hbm>>)
      %add3A_389 = arith.constant 1 : i32
      %add3A_390 = arith.addi %add3A_334, %add3A_389 : i32
      %mul3A_391 = arith.constant 8 : i32
      %mul3A_392 = arith.muli %add3A_390, %mul3A_391 : i32
      %dma_start3A_393 = arith.constant 1 : i32
      %dma_start3A_394 = arith.constant 1 : i32
      %dma_start3A_395 = arith.constant 0 : i32
      %dma_start3A_396 = arith.constant 0 : i32
      %dma_start3A_397 = tpu.memref_slice %arg6[%dma_start3A_393, %dma_start3A_395, %dma_start3A_396] : memref<3x8x4096xf32, #tpu.memory_space<vmem>> -> memref<1x8x4096xf32, #tpu.memory_space<vmem>>
      %dma_start3A_398 = tpu.memref_squeeze %dma_start3A_397 : memref<1x8x4096xf32, #tpu.memory_space<vmem>> -> memref<8x4096xf32, #tpu.memory_space<vmem>>
      %dma_start3A_399 = tpu.memref_slice %arg5[%mul3A_392] : memref<128xi32, #tpu.memory_space<vmem>> -> memref<8xi32, #tpu.memory_space<vmem>>
      %dma_start3A_400 = arith.constant 0 : i32
      %dma_start3A_401 = arith.constant 0 : i32
      %dma_start3A_402 = tpu.memref_slice %arg3[%dma_start3A_400, %dma_start3A_401] : memref<32000x4096xf32, #tpu.memory_space<hbm>> -> memref<32000x4096xf32, #tpu.memory_space<hbm>>
      %dma_start3A_403 = tpu.memref_slice %arg7[%dma_start3A_394] : memref<3x!tpu.dma_semaphore, #tpu.memory_space<semaphore_mem>> -> memref<1x!tpu.dma_semaphore, #tpu.memory_space<semaphore_mem>>
      %dma_start3A_404 = tpu.memref_squeeze %dma_start3A_403 : memref<1x!tpu.dma_semaphore, #tpu.memory_space<semaphore_mem>> -> memref<!tpu.dma_semaphore, #tpu.memory_space<semaphore_mem>>
      tpu.enqueue_indirect_dma source(%dma_start3A_402 : memref<32000x4096xf32, #tpu.memory_space<hbm>>) target(%dma_start3A_398 : memref<8x4096xf32, #tpu.memory_space<vmem>>) offsets(%dma_start3A_399 : memref<8xi32, #tpu.memory_space<vmem>>) semaphore(%dma_start3A_404 : memref<!tpu.dma_semaphore, #tpu.memory_space<semaphore_mem>>)
      %mul3A_405 = arith.constant 3 : i32
      %mul3A_406 = arith.muli %scan3A_253, %mul3A_405 : i32
      %add3A_407 = arith.constant 2 : i32
      %add3A_408 = arith.addi %mul3A_406, %add3A_407 : i32
      %add3A_409 = arith.constant 2 : i32
      %add3A_410 = arith.addi %add3A_408, %add3A_409 : i32
      %mul3A_411 = arith.constant 8 : i32
      %mul3A_412 = arith.muli %add3A_410, %mul3A_411 : i32
      %dma_wait3A_413 = arith.constant 1 : i32
      %dma_wait3A_414 = arith.constant 1 : i32
      %dma_wait3A_415 = arith.constant 0 : i32
      %dma_wait3A_416 = arith.constant 0 : i32
      %dma_wait3A_417 = tpu.memref_slice %arg6[%dma_wait3A_413, %dma_wait3A_415, %dma_wait3A_416] : memref<3x8x4096xf32, #tpu.memory_space<vmem>> -> memref<1x8x4096xf32, #tpu.memory_space<vmem>>
      %dma_wait3A_418 = tpu.memref_squeeze %dma_wait3A_417 : memref<1x8x4096xf32, #tpu.memory_space<vmem>> -> memref<8x4096xf32, #tpu.memory_space<vmem>>
      %dma_wait3A_419 = tpu.memref_slice %arg5[%mul3A_412] : memref<128xi32, #tpu.memory_space<vmem>> -> memref<8xi32, #tpu.memory_space<vmem>>
      %dma_wait3A_420 = arith.constant 0 : i32
      %dma_wait3A_421 = arith.constant 0 : i32
      %dma_wait3A_422 = tpu.memref_slice %arg3[%dma_wait3A_420, %dma_wait3A_421] : memref<32000x4096xf32, #tpu.memory_space<hbm>> -> memref<32000x4096xf32, #tpu.memory_space<hbm>>
      %dma_wait3A_423 = tpu.memref_slice %arg7[%dma_wait3A_414] : memref<3x!tpu.dma_semaphore, #tpu.memory_space<semaphore_mem>> -> memref<1x!tpu.dma_semaphore, #tpu.memory_space<semaphore_mem>>
      %dma_wait3A_424 = tpu.memref_squeeze %dma_wait3A_423 : memref<1x!tpu.dma_semaphore, #tpu.memory_space<semaphore_mem>> -> memref<!tpu.dma_semaphore, #tpu.memory_space<semaphore_mem>>
      tpu.wait_indirect_dma semaphore(%dma_wait3A_424 : memref<!tpu.dma_semaphore, #tpu.memory_space<semaphore_mem>>) src(%dma_wait3A_422 : memref<32000x4096xf32, #tpu.memory_space<hbm>>) dst(%dma_wait3A_418 : memref<8x4096xf32, #tpu.memory_space<vmem>>)
      %mul3A_425 = arith.constant 8 : i32
      %mul3A_426 = arith.muli %add3A_410, %mul3A_425 : i32
      %add3A_427 = arith.addi %mul3A_2, %mul3A_426 : i32
      %dma_start3A_428 = arith.constant 1 : i32
      %dma_start3A_429 = arith.constant 1 : i32
      %dma_start3A_430 = arith.constant 0 : i32
      %dma_start3A_431 = arith.constant 0 : i32
      %dma_start3A_432 = tpu.memref_slice %arg6[%dma_start3A_428, %dma_start3A_430, %dma_start3A_431] : memref<3x8x4096xf32, #tpu.memory_space<vmem>> -> memref<1x8x4096xf32, #tpu.memory_space<vmem>>
      %dma_start3A_433 = tpu.memref_squeeze %dma_start3A_432 : memref<1x8x4096xf32, #tpu.memory_space<vmem>> -> memref<8x4096xf32, #tpu.memory_space<vmem>>
      %dma_start3A_434 = arith.constant 0 : i32
      %dma_start3A_435 = tpu.memref_slice %arg4[%add3A_427, %dma_start3A_434] : memref<4096x4096xf32, #tpu.memory_space<hbm>> -> memref<8x4096xf32, #tpu.memory_space<hbm>>
      %dma_start3A_436 = tpu.memref_slice %arg8[%dma_start3A_429] : memref<3x!tpu.dma_semaphore, #tpu.memory_space<semaphore_mem>> -> memref<1x!tpu.dma_semaphore, #tpu.memory_space<semaphore_mem>>
      %dma_start3A_437 = tpu.memref_squeeze %dma_start3A_436 : memref<1x!tpu.dma_semaphore, #tpu.memory_space<semaphore_mem>> -> memref<!tpu.dma_semaphore, #tpu.memory_space<semaphore_mem>>
      %dma_start3A_438 = arith.constant 0 : i32
      %dma_start3A_439 = tpu.memref_slice %arg4[%add3A_427, %dma_start3A_438] : memref<4096x4096xf32, #tpu.memory_space<hbm>> -> memref<8x4096xf32, #tpu.memory_space<hbm>>
      %dma_start3A_440 = arith.constant 0 : i32
      %dma_start3A_441 = arith.constant 0 : i32
      %dma_start3A_442 = tpu.memref_slice %arg6[%dma_start3A_428, %dma_start3A_440, %dma_start3A_441] : memref<3x8x4096xf32, #tpu.memory_space<vmem>> -> memref<1x8x4096xf32, #tpu.memory_space<vmem>>
      %dma_start3A_443 = tpu.memref_squeeze %dma_start3A_442 : memref<1x8x4096xf32, #tpu.memory_space<vmem>> -> memref<8x4096xf32, #tpu.memory_space<vmem>>
      tpu.enqueue_dma source(%dma_start3A_443 : memref<8x4096xf32, #tpu.memory_space<vmem>>) target(%dma_start3A_439 : memref<8x4096xf32, #tpu.memory_space<hbm>>) target_semaphore(%dma_start3A_437 : memref<!tpu.dma_semaphore, #tpu.memory_space<semaphore_mem>>)
      %sub3A_444 = arith.constant 2 : i32
      %sub3A_445 = arith.subi %add3A_410, %sub3A_444 : i32
      %mul3A_446 = arith.constant 8 : i32
      %mul3A_447 = arith.muli %sub3A_445, %mul3A_446 : i32
      %add3A_448 = arith.addi %mul3A_2, %mul3A_447 : i32
      %dma_wait3A_449 = arith.constant 2 : i32
      %dma_wait3A_450 = arith.constant 2 : i32
      %dma_wait3A_451 = arith.constant 0 : i32
      %dma_wait3A_452 = arith.constant 0 : i32
      %dma_wait3A_453 = tpu.memref_slice %arg6[%dma_wait3A_449, %dma_wait3A_451, %dma_wait3A_452] : memref<3x8x4096xf32, #tpu.memory_space<vmem>> -> memref<1x8x4096xf32, #tpu.memory_space<vmem>>
      %dma_wait3A_454 = tpu.memref_squeeze %dma_wait3A_453 : memref<1x8x4096xf32, #tpu.memory_space<vmem>> -> memref<8x4096xf32, #tpu.memory_space<vmem>>
      %dma_wait3A_455 = arith.constant 0 : i32
      %dma_wait3A_456 = tpu.memref_slice %arg4[%add3A_448, %dma_wait3A_455] : memref<4096x4096xf32, #tpu.memory_space<hbm>> -> memref<8x4096xf32, #tpu.memory_space<hbm>>
      %dma_wait3A_457 = tpu.memref_slice %arg8[%dma_wait3A_450] : memref<3x!tpu.dma_semaphore, #tpu.memory_space<semaphore_mem>> -> memref<1x!tpu.dma_semaphore, #tpu.memory_space<semaphore_mem>>
      %dma_wait3A_458 = tpu.memref_squeeze %dma_wait3A_457 : memref<1x!tpu.dma_semaphore, #tpu.memory_space<semaphore_mem>> -> memref<!tpu.dma_semaphore, #tpu.memory_space<semaphore_mem>>
      %dma_wait3A_459 = arith.constant 0 : i32
      %dma_wait3A_460 = tpu.memref_slice %arg4[%add3A_448, %dma_wait3A_459] : memref<4096x4096xf32, #tpu.memory_space<hbm>> -> memref<8x4096xf32, #tpu.memory_space<hbm>>
      %dma_wait3A_461 = arith.constant 0 : i32
      %dma_wait3A_462 = arith.constant 0 : i32
      %dma_wait3A_463 = tpu.memref_slice %arg6[%dma_wait3A_449, %dma_wait3A_461, %dma_wait3A_462] : memref<3x8x4096xf32, #tpu.memory_space<vmem>> -> memref<1x8x4096xf32, #tpu.memory_space<vmem>>
      %dma_wait3A_464 = tpu.memref_squeeze %dma_wait3A_463 : memref<1x8x4096xf32, #tpu.memory_space<vmem>> -> memref<8x4096xf32, #tpu.memory_space<vmem>>
      tpu.wait_dma2 semaphore(%dma_wait3A_458 : memref<!tpu.dma_semaphore, #tpu.memory_space<semaphore_mem>>) src(%dma_wait3A_464 : memref<8x4096xf32, #tpu.memory_space<vmem>>) dst(%dma_wait3A_460 : memref<8x4096xf32, #tpu.memory_space<hbm>>)
      %add3A_465 = arith.constant 1 : i32
      %add3A_466 = arith.addi %add3A_410, %add3A_465 : i32
      %mul3A_467 = arith.constant 8 : i32
      %mul3A_468 = arith.muli %add3A_466, %mul3A_467 : i32
      %dma_start3A_469 = arith.constant 2 : i32
      %dma_start3A_470 = arith.constant 2 : i32
      %dma_start3A_471 = arith.constant 0 : i32
      %dma_start3A_472 = arith.constant 0 : i32
      %dma_start3A_473 = tpu.memref_slice %arg6[%dma_start3A_469, %dma_start3A_471, %dma_start3A_472] : memref<3x8x4096xf32, #tpu.memory_space<vmem>> -> memref<1x8x4096xf32, #tpu.memory_space<vmem>>
      %dma_start3A_474 = tpu.memref_squeeze %dma_start3A_473 : memref<1x8x4096xf32, #tpu.memory_space<vmem>> -> memref<8x4096xf32, #tpu.memory_space<vmem>>
      %dma_start3A_475 = tpu.memref_slice %arg5[%mul3A_468] : memref<128xi32, #tpu.memory_space<vmem>> -> memref<8xi32, #tpu.memory_space<vmem>>
      %dma_start3A_476 = arith.constant 0 : i32
      %dma_start3A_477 = arith.constant 0 : i32
      %dma_start3A_478 = tpu.memref_slice %arg3[%dma_start3A_476, %dma_start3A_477] : memref<32000x4096xf32, #tpu.memory_space<hbm>> -> memref<32000x4096xf32, #tpu.memory_space<hbm>>
      %dma_start3A_479 = tpu.memref_slice %arg7[%dma_start3A_470] : memref<3x!tpu.dma_semaphore, #tpu.memory_space<semaphore_mem>> -> memref<1x!tpu.dma_semaphore, #tpu.memory_space<semaphore_mem>>
      %dma_start3A_480 = tpu.memref_squeeze %dma_start3A_479 : memref<1x!tpu.dma_semaphore, #tpu.memory_space<semaphore_mem>> -> memref<!tpu.dma_semaphore, #tpu.memory_space<semaphore_mem>>
      tpu.enqueue_indirect_dma source(%dma_start3A_478 : memref<32000x4096xf32, #tpu.memory_space<hbm>>) target(%dma_start3A_474 : memref<8x4096xf32, #tpu.memory_space<vmem>>) offsets(%dma_start3A_475 : memref<8xi32, #tpu.memory_space<vmem>>) semaphore(%dma_start3A_480 : memref<!tpu.dma_semaphore, #tpu.memory_space<semaphore_mem>>)
    }
    %scan3A_105 = arith.constant 4 : i32
    %dma_wait3A_106 = arith.constant 2 : i32
    %dma_wait3A_107 = arith.constant 2 : i32
    %dma_wait3A_108 = arith.constant 0 : i32
    %dma_wait3A_109 = arith.constant 0 : i32
    %dma_wait3A_110 = tpu.memref_slice %arg6[%dma_wait3A_106, %dma_wait3A_108, %dma_wait3A_109] : memref<3x8x4096xf32, #tpu.memory_space<vmem>> -> memref<1x8x4096xf32, #tpu.memory_space<vmem>>
    %dma_wait3A_111 = tpu.memref_squeeze %dma_wait3A_110 : memref<1x8x4096xf32, #tpu.memory_space<vmem>> -> memref<8x4096xf32, #tpu.memory_space<vmem>>
    %dma_wait3A_112 = arith.constant 112 : i32
    %dma_wait3A_113 = tpu.memref_slice %arg5[%dma_wait3A_112] : memref<128xi32, #tpu.memory_space<vmem>> -> memref<8xi32, #tpu.memory_space<vmem>>
    %dma_wait3A_114 = arith.constant 0 : i32
    %dma_wait3A_115 = arith.constant 0 : i32
    %dma_wait3A_116 = tpu.memref_slice %arg3[%dma_wait3A_114, %dma_wait3A_115] : memref<32000x4096xf32, #tpu.memory_space<hbm>> -> memref<32000x4096xf32, #tpu.memory_space<hbm>>
    %dma_wait3A_117 = tpu.memref_slice %arg7[%dma_wait3A_107] : memref<3x!tpu.dma_semaphore, #tpu.memory_space<semaphore_mem>> -> memref<1x!tpu.dma_semaphore, #tpu.memory_space<semaphore_mem>>
    %dma_wait3A_118 = tpu.memref_squeeze %dma_wait3A_117 : memref<1x!tpu.dma_semaphore, #tpu.memory_space<semaphore_mem>> -> memref<!tpu.dma_semaphore, #tpu.memory_space<semaphore_mem>>
    tpu.wait_indirect_dma semaphore(%dma_wait3A_118 : memref<!tpu.dma_semaphore, #tpu.memory_space<semaphore_mem>>) src(%dma_wait3A_116 : memref<32000x4096xf32, #tpu.memory_space<hbm>>) dst(%dma_wait3A_111 : memref<8x4096xf32, #tpu.memory_space<vmem>>)
    %add3A_119 = arith.constant 112 : i32
    %add3A_120 = arith.addi %mul3A_2, %add3A_119 : i32
    %dma_start3A_121 = arith.constant 2 : i32
    %dma_start3A_122 = arith.constant 2 : i32
    %dma_start3A_123 = arith.constant 0 : i32
    %dma_start3A_124 = arith.constant 0 : i32
    %dma_start3A_125 = tpu.memref_slice %arg6[%dma_start3A_121, %dma_start3A_123, %dma_start3A_124] : memref<3x8x4096xf32, #tpu.memory_space<vmem>> -> memref<1x8x4096xf32, #tpu.memory_space<vmem>>
    %dma_start3A_126 = tpu.memref_squeeze %dma_start3A_125 : memref<1x8x4096xf32, #tpu.memory_space<vmem>> -> memref<8x4096xf32, #tpu.memory_space<vmem>>
    %dma_start3A_127 = arith.constant 0 : i32
    %dma_start3A_128 = tpu.memref_slice %arg4[%add3A_120, %dma_start3A_127] : memref<4096x4096xf32, #tpu.memory_space<hbm>> -> memref<8x4096xf32, #tpu.memory_space<hbm>>
    %dma_start3A_129 = tpu.memref_slice %arg8[%dma_start3A_122] : memref<3x!tpu.dma_semaphore, #tpu.memory_space<semaphore_mem>> -> memref<1x!tpu.dma_semaphore, #tpu.memory_space<semaphore_mem>>
    %dma_start3A_130 = tpu.memref_squeeze %dma_start3A_129 : memref<1x!tpu.dma_semaphore, #tpu.memory_space<semaphore_mem>> -> memref<!tpu.dma_semaphore, #tpu.memory_space<semaphore_mem>>
    %dma_start3A_131 = arith.constant 0 : i32
    %dma_start3A_132 = tpu.memref_slice %arg4[%add3A_120, %dma_start3A_131] : memref<4096x4096xf32, #tpu.memory_space<hbm>> -> memref<8x4096xf32, #tpu.memory_space<hbm>>
    %dma_start3A_133 = arith.constant 0 : i32
    %dma_start3A_134 = arith.constant 0 : i32
    %dma_start3A_135 = tpu.memref_slice %arg6[%dma_start3A_121, %dma_start3A_133, %dma_start3A_134] : memref<3x8x4096xf32, #tpu.memory_space<vmem>> -> memref<1x8x4096xf32, #tpu.memory_space<vmem>>
    %dma_start3A_136 = tpu.memref_squeeze %dma_start3A_135 : memref<1x8x4096xf32, #tpu.memory_space<vmem>> -> memref<8x4096xf32, #tpu.memory_space<vmem>>
    tpu.enqueue_dma source(%dma_start3A_136 : memref<8x4096xf32, #tpu.memory_space<vmem>>) target(%dma_start3A_132 : memref<8x4096xf32, #tpu.memory_space<hbm>>) target_semaphore(%dma_start3A_130 : memref<!tpu.dma_semaphore, #tpu.memory_space<semaphore_mem>>)
    %add3A_137 = arith.constant 96 : i32
    %add3A_138 = arith.addi %mul3A_2, %add3A_137 : i32
    %dma_wait3A_139 = arith.constant 0 : i32
    %dma_wait3A_140 = arith.constant 0 : i32
    %dma_wait3A_141 = arith.constant 0 : i32
    %dma_wait3A_142 = arith.constant 0 : i32
    %dma_wait3A_143 = tpu.memref_slice %arg6[%dma_wait3A_139, %dma_wait3A_141, %dma_wait3A_142] : memref<3x8x4096xf32, #tpu.memory_space<vmem>> -> memref<1x8x4096xf32, #tpu.memory_space<vmem>>
    %dma_wait3A_144 = tpu.memref_squeeze %dma_wait3A_143 : memref<1x8x4096xf32, #tpu.memory_space<vmem>> -> memref<8x4096xf32, #tpu.memory_space<vmem>>
    %dma_wait3A_145 = arith.constant 0 : i32
    %dma_wait3A_146 = tpu.memref_slice %arg4[%add3A_138, %dma_wait3A_145] : memref<4096x4096xf32, #tpu.memory_space<hbm>> -> memref<8x4096xf32, #tpu.memory_space<hbm>>
    %dma_wait3A_147 = tpu.memref_slice %arg8[%dma_wait3A_140] : memref<3x!tpu.dma_semaphore, #tpu.memory_space<semaphore_mem>> -> memref<1x!tpu.dma_semaphore, #tpu.memory_space<semaphore_mem>>
    %dma_wait3A_148 = tpu.memref_squeeze %dma_wait3A_147 : memref<1x!tpu.dma_semaphore, #tpu.memory_space<semaphore_mem>> -> memref<!tpu.dma_semaphore, #tpu.memory_space<semaphore_mem>>
    %dma_wait3A_149 = arith.constant 0 : i32
    %dma_wait3A_150 = tpu.memref_slice %arg4[%add3A_138, %dma_wait3A_149] : memref<4096x4096xf32, #tpu.memory_space<hbm>> -> memref<8x4096xf32, #tpu.memory_space<hbm>>
    %dma_wait3A_151 = arith.constant 0 : i32
    %dma_wait3A_152 = arith.constant 0 : i32
    %dma_wait3A_153 = tpu.memref_slice %arg6[%dma_wait3A_139, %dma_wait3A_151, %dma_wait3A_152] : memref<3x8x4096xf32, #tpu.memory_space<vmem>> -> memref<1x8x4096xf32, #tpu.memory_space<vmem>>
    %dma_wait3A_154 = tpu.memref_squeeze %dma_wait3A_153 : memref<1x8x4096xf32, #tpu.memory_space<vmem>> -> memref<8x4096xf32, #tpu.memory_space<vmem>>
    tpu.wait_dma2 semaphore(%dma_wait3A_148 : memref<!tpu.dma_semaphore, #tpu.memory_space<semaphore_mem>>) src(%dma_wait3A_154 : memref<8x4096xf32, #tpu.memory_space<vmem>>) dst(%dma_wait3A_150 : memref<8x4096xf32, #tpu.memory_space<hbm>>)
    %dma_start3A_155 = arith.constant 0 : i32
    %dma_start3A_156 = arith.constant 0 : i32
    %dma_start3A_157 = arith.constant 0 : i32
    %dma_start3A_158 = arith.constant 0 : i32
    %dma_start3A_159 = tpu.memref_slice %arg6[%dma_start3A_155, %dma_start3A_157, %dma_start3A_158] : memref<3x8x4096xf32, #tpu.memory_space<vmem>> -> memref<1x8x4096xf32, #tpu.memory_space<vmem>>
    %dma_start3A_160 = tpu.memref_squeeze %dma_start3A_159 : memref<1x8x4096xf32, #tpu.memory_space<vmem>> -> memref<8x4096xf32, #tpu.memory_space<vmem>>
    %dma_start3A_161 = arith.constant 120 : i32
    %dma_start3A_162 = tpu.memref_slice %arg5[%dma_start3A_161] : memref<128xi32, #tpu.memory_space<vmem>> -> memref<8xi32, #tpu.memory_space<vmem>>
    %dma_start3A_163 = arith.constant 0 : i32
    %dma_start3A_164 = arith.constant 0 : i32
    %dma_start3A_165 = tpu.memref_slice %arg3[%dma_start3A_163, %dma_start3A_164] : memref<32000x4096xf32, #tpu.memory_space<hbm>> -> memref<32000x4096xf32, #tpu.memory_space<hbm>>
    %dma_start3A_166 = tpu.memref_slice %arg7[%dma_start3A_156] : memref<3x!tpu.dma_semaphore, #tpu.memory_space<semaphore_mem>> -> memref<1x!tpu.dma_semaphore, #tpu.memory_space<semaphore_mem>>
    %dma_start3A_167 = tpu.memref_squeeze %dma_start3A_166 : memref<1x!tpu.dma_semaphore, #tpu.memory_space<semaphore_mem>> -> memref<!tpu.dma_semaphore, #tpu.memory_space<semaphore_mem>>
    tpu.enqueue_indirect_dma source(%dma_start3A_165 : memref<32000x4096xf32, #tpu.memory_space<hbm>>) target(%dma_start3A_160 : memref<8x4096xf32, #tpu.memory_space<vmem>>) offsets(%dma_start3A_162 : memref<8xi32, #tpu.memory_space<vmem>>) semaphore(%dma_start3A_167 : memref<!tpu.dma_semaphore, #tpu.memory_space<semaphore_mem>>)
    %dma_wait3A_168 = arith.constant 0 : i32
    %dma_wait3A_169 = arith.constant 0 : i32
    %dma_wait3A_170 = arith.constant 0 : i32
    %dma_wait3A_171 = arith.constant 0 : i32
    %dma_wait3A_172 = tpu.memref_slice %arg6[%dma_wait3A_168, %dma_wait3A_170, %dma_wait3A_171] : memref<3x8x4096xf32, #tpu.memory_space<vmem>> -> memref<1x8x4096xf32, #tpu.memory_space<vmem>>
    %dma_wait3A_173 = tpu.memref_squeeze %dma_wait3A_172 : memref<1x8x4096xf32, #tpu.memory_space<vmem>> -> memref<8x4096xf32, #tpu.memory_space<vmem>>
    %dma_wait3A_174 = arith.constant 120 : i32
    %dma_wait3A_175 = tpu.memref_slice %arg5[%dma_wait3A_174] : memref<128xi32, #tpu.memory_space<vmem>> -> memref<8xi32, #tpu.memory_space<vmem>>
    %dma_wait3A_176 = arith.constant 0 : i32
    %dma_wait3A_177 = arith.constant 0 : i32
    %dma_wait3A_178 = tpu.memref_slice %arg3[%dma_wait3A_176, %dma_wait3A_177] : memref<32000x4096xf32, #tpu.memory_space<hbm>> -> memref<32000x4096xf32, #tpu.memory_space<hbm>>
    %dma_wait3A_179 = tpu.memref_slice %arg7[%dma_wait3A_169] : memref<3x!tpu.dma_semaphore, #tpu.memory_space<semaphore_mem>> -> memref<1x!tpu.dma_semaphore, #tpu.memory_space<semaphore_mem>>
    %dma_wait3A_180 = tpu.memref_squeeze %dma_wait3A_179 : memref<1x!tpu.dma_semaphore, #tpu.memory_space<semaphore_mem>> -> memref<!tpu.dma_semaphore, #tpu.memory_space<semaphore_mem>>
    tpu.wait_indirect_dma semaphore(%dma_wait3A_180 : memref<!tpu.dma_semaphore, #tpu.memory_space<semaphore_mem>>) src(%dma_wait3A_178 : memref<32000x4096xf32, #tpu.memory_space<hbm>>) dst(%dma_wait3A_173 : memref<8x4096xf32, #tpu.memory_space<vmem>>)
    %add3A_181 = arith.constant 120 : i32
    %add3A_182 = arith.addi %mul3A_2, %add3A_181 : i32
    %dma_start3A_183 = arith.constant 0 : i32
    %dma_start3A_184 = arith.constant 0 : i32
    %dma_start3A_185 = arith.constant 0 : i32
    %dma_start3A_186 = arith.constant 0 : i32
    %dma_start3A_187 = tpu.memref_slice %arg6[%dma_start3A_183, %dma_start3A_185, %dma_start3A_186] : memref<3x8x4096xf32, #tpu.memory_space<vmem>> -> memref<1x8x4096xf32, #tpu.memory_space<vmem>>
    %dma_start3A_188 = tpu.memref_squeeze %dma_start3A_187 : memref<1x8x4096xf32, #tpu.memory_space<vmem>> -> memref<8x4096xf32, #tpu.memory_space<vmem>>
    %dma_start3A_189 = arith.constant 0 : i32
    %dma_start3A_190 = tpu.memref_slice %arg4[%add3A_182, %dma_start3A_189] : memref<4096x4096xf32, #tpu.memory_space<hbm>> -> memref<8x4096xf32, #tpu.memory_space<hbm>>
    %dma_start3A_191 = tpu.memref_slice %arg8[%dma_start3A_184] : memref<3x!tpu.dma_semaphore, #tpu.memory_space<semaphore_mem>> -> memref<1x!tpu.dma_semaphore, #tpu.memory_space<semaphore_mem>>
    %dma_start3A_192 = tpu.memref_squeeze %dma_start3A_191 : memref<1x!tpu.dma_semaphore, #tpu.memory_space<semaphore_mem>> -> memref<!tpu.dma_semaphore, #tpu.memory_space<semaphore_mem>>
    %dma_start3A_193 = arith.constant 0 : i32
    %dma_start3A_194 = tpu.memref_slice %arg4[%add3A_182, %dma_start3A_193] : memref<4096x4096xf32, #tpu.memory_space<hbm>> -> memref<8x4096xf32, #tpu.memory_space<hbm>>
    %dma_start3A_195 = arith.constant 0 : i32
    %dma_start3A_196 = arith.constant 0 : i32
    %dma_start3A_197 = tpu.memref_slice %arg6[%dma_start3A_183, %dma_start3A_195, %dma_start3A_196] : memref<3x8x4096xf32, #tpu.memory_space<vmem>> -> memref<1x8x4096xf32, #tpu.memory_space<vmem>>
    %dma_start3A_198 = tpu.memref_squeeze %dma_start3A_197 : memref<1x8x4096xf32, #tpu.memory_space<vmem>> -> memref<8x4096xf32, #tpu.memory_space<vmem>>
    tpu.enqueue_dma source(%dma_start3A_198 : memref<8x4096xf32, #tpu.memory_space<vmem>>) target(%dma_start3A_194 : memref<8x4096xf32, #tpu.memory_space<hbm>>) target_semaphore(%dma_start3A_192 : memref<!tpu.dma_semaphore, #tpu.memory_space<semaphore_mem>>)
    %add3A_199 = arith.constant 104 : i32
    %add3A_200 = arith.addi %mul3A_2, %add3A_199 : i32
    %dma_wait3A_201 = arith.constant 1 : i32
    %dma_wait3A_202 = arith.constant 1 : i32
    %dma_wait3A_203 = arith.constant 0 : i32
    %dma_wait3A_204 = arith.constant 0 : i32
    %dma_wait3A_205 = tpu.memref_slice %arg6[%dma_wait3A_201, %dma_wait3A_203, %dma_wait3A_204] : memref<3x8x4096xf32, #tpu.memory_space<vmem>> -> memref<1x8x4096xf32, #tpu.memory_space<vmem>>
    %dma_wait3A_206 = tpu.memref_squeeze %dma_wait3A_205 : memref<1x8x4096xf32, #tpu.memory_space<vmem>> -> memref<8x4096xf32, #tpu.memory_space<vmem>>
    %dma_wait3A_207 = arith.constant 0 : i32
    %dma_wait3A_208 = tpu.memref_slice %arg4[%add3A_200, %dma_wait3A_207] : memref<4096x4096xf32, #tpu.memory_space<hbm>> -> memref<8x4096xf32, #tpu.memory_space<hbm>>
    %dma_wait3A_209 = tpu.memref_slice %arg8[%dma_wait3A_202] : memref<3x!tpu.dma_semaphore, #tpu.memory_space<semaphore_mem>> -> memref<1x!tpu.dma_semaphore, #tpu.memory_space<semaphore_mem>>
    %dma_wait3A_210 = tpu.memref_squeeze %dma_wait3A_209 : memref<1x!tpu.dma_semaphore, #tpu.memory_space<semaphore_mem>> -> memref<!tpu.dma_semaphore, #tpu.memory_space<semaphore_mem>>
    %dma_wait3A_211 = arith.constant 0 : i32
    %dma_wait3A_212 = tpu.memref_slice %arg4[%add3A_200, %dma_wait3A_211] : memref<4096x4096xf32, #tpu.memory_space<hbm>> -> memref<8x4096xf32, #tpu.memory_space<hbm>>
    %dma_wait3A_213 = arith.constant 0 : i32
    %dma_wait3A_214 = arith.constant 0 : i32
    %dma_wait3A_215 = tpu.memref_slice %arg6[%dma_wait3A_201, %dma_wait3A_213, %dma_wait3A_214] : memref<3x8x4096xf32, #tpu.memory_space<vmem>> -> memref<1x8x4096xf32, #tpu.memory_space<vmem>>
    %dma_wait3A_216 = tpu.memref_squeeze %dma_wait3A_215 : memref<1x8x4096xf32, #tpu.memory_space<vmem>> -> memref<8x4096xf32, #tpu.memory_space<vmem>>
    tpu.wait_dma2 semaphore(%dma_wait3A_210 : memref<!tpu.dma_semaphore, #tpu.memory_space<semaphore_mem>>) src(%dma_wait3A_216 : memref<8x4096xf32, #tpu.memory_space<vmem>>) dst(%dma_wait3A_212 : memref<8x4096xf32, #tpu.memory_space<hbm>>)
    %add3A_217 = arith.constant 112 : i32
    %add3A_218 = arith.addi %mul3A_2, %add3A_217 : i32
    %dma_wait3A_219 = arith.constant 2 : i32
    %dma_wait3A_220 = arith.constant 2 : i32
    %dma_wait3A_221 = arith.constant 0 : i32
    %dma_wait3A_222 = arith.constant 0 : i32
    %dma_wait3A_223 = tpu.memref_slice %arg6[%dma_wait3A_219, %dma_wait3A_221, %dma_wait3A_222] : memref<3x8x4096xf32, #tpu.memory_space<vmem>> -> memref<1x8x4096xf32, #tpu.memory_space<vmem>>
    %dma_wait3A_224 = tpu.memref_squeeze %dma_wait3A_223 : memref<1x8x4096xf32, #tpu.memory_space<vmem>> -> memref<8x4096xf32, #tpu.memory_space<vmem>>
    %dma_wait3A_225 = arith.constant 0 : i32
    %dma_wait3A_226 = tpu.memref_slice %arg4[%add3A_218, %dma_wait3A_225] : memref<4096x4096xf32, #tpu.memory_space<hbm>> -> memref<8x4096xf32, #tpu.memory_space<hbm>>
    %dma_wait3A_227 = tpu.memref_slice %arg8[%dma_wait3A_220] : memref<3x!tpu.dma_semaphore, #tpu.memory_space<semaphore_mem>> -> memref<1x!tpu.dma_semaphore, #tpu.memory_space<semaphore_mem>>
    %dma_wait3A_228 = tpu.memref_squeeze %dma_wait3A_227 : memref<1x!tpu.dma_semaphore, #tpu.memory_space<semaphore_mem>> -> memref<!tpu.dma_semaphore, #tpu.memory_space<semaphore_mem>>
    %dma_wait3A_229 = arith.constant 0 : i32
    %dma_wait3A_230 = tpu.memref_slice %arg4[%add3A_218, %dma_wait3A_229] : memref<4096x4096xf32, #tpu.memory_space<hbm>> -> memref<8x4096xf32, #tpu.memory_space<hbm>>
    %dma_wait3A_231 = arith.constant 0 : i32
    %dma_wait3A_232 = arith.constant 0 : i32
    %dma_wait3A_233 = tpu.memref_slice %arg6[%dma_wait3A_219, %dma_wait3A_231, %dma_wait3A_232] : memref<3x8x4096xf32, #tpu.memory_space<vmem>> -> memref<1x8x4096xf32, #tpu.memory_space<vmem>>
    %dma_wait3A_234 = tpu.memref_squeeze %dma_wait3A_233 : memref<1x8x4096xf32, #tpu.memory_space<vmem>> -> memref<8x4096xf32, #tpu.memory_space<vmem>>
    tpu.wait_dma2 semaphore(%dma_wait3A_228 : memref<!tpu.dma_semaphore, #tpu.memory_space<semaphore_mem>>) src(%dma_wait3A_234 : memref<8x4096xf32, #tpu.memory_space<vmem>>) dst(%dma_wait3A_230 : memref<8x4096xf32, #tpu.memory_space<hbm>>)
    %add3A_235 = arith.constant 120 : i32
    %add3A_236 = arith.addi %mul3A_2, %add3A_235 : i32
    %dma_wait3A_237 = arith.constant 0 : i32
    %dma_wait3A_238 = arith.constant 0 : i32
    %dma_wait3A_239 = arith.constant 0 : i32
    %dma_wait3A_240 = arith.constant 0 : i32
    %dma_wait3A_241 = tpu.memref_slice %arg6[%dma_wait3A_237, %dma_wait3A_239, %dma_wait3A_240] : memref<3x8x4096xf32, #tpu.memory_space<vmem>> -> memref<1x8x4096xf32, #tpu.memory_space<vmem>>
    %dma_wait3A_242 = tpu.memref_squeeze %dma_wait3A_241 : memref<1x8x4096xf32, #tpu.memory_space<vmem>> -> memref<8x4096xf32, #tpu.memory_space<vmem>>
    %dma_wait3A_243 = arith.constant 0 : i32
    %dma_wait3A_244 = tpu.memref_slice %arg4[%add3A_236, %dma_wait3A_243] : memref<4096x4096xf32, #tpu.memory_space<hbm>> -> memref<8x4096xf32, #tpu.memory_space<hbm>>
    %dma_wait3A_245 = tpu.memref_slice %arg8[%dma_wait3A_238] : memref<3x!tpu.dma_semaphore, #tpu.memory_space<semaphore_mem>> -> memref<1x!tpu.dma_semaphore, #tpu.memory_space<semaphore_mem>>
    %dma_wait3A_246 = tpu.memref_squeeze %dma_wait3A_245 : memref<1x!tpu.dma_semaphore, #tpu.memory_space<semaphore_mem>> -> memref<!tpu.dma_semaphore, #tpu.memory_space<semaphore_mem>>
    %dma_wait3A_247 = arith.constant 0 : i32
    %dma_wait3A_248 = tpu.memref_slice %arg4[%add3A_236, %dma_wait3A_247] : memref<4096x4096xf32, #tpu.memory_space<hbm>> -> memref<8x4096xf32, #tpu.memory_space<hbm>>
    %dma_wait3A_249 = arith.constant 0 : i32
    %dma_wait3A_250 = arith.constant 0 : i32
    %dma_wait3A_251 = tpu.memref_slice %arg6[%dma_wait3A_237, %dma_wait3A_249, %dma_wait3A_250] : memref<3x8x4096xf32, #tpu.memory_space<vmem>> -> memref<1x8x4096xf32, #tpu.memory_space<vmem>>
    %dma_wait3A_252 = tpu.memref_squeeze %dma_wait3A_251 : memref<1x8x4096xf32, #tpu.memory_space<vmem>> -> memref<8x4096xf32, #tpu.memory_space<vmem>>
    tpu.wait_dma2 semaphore(%dma_wait3A_246 : memref<!tpu.dma_semaphore, #tpu.memory_space<semaphore_mem>>) src(%dma_wait3A_252 : memref<8x4096xf32, #tpu.memory_space<vmem>>) dst(%dma_wait3A_248 : memref<8x4096xf32, #tpu.memory_space<hbm>>)
    return
  }
}

</mosaic_0001>

<sc_bundles>
// kernel: kernel.3.cloned.1.call-start
scs
__scs_entry_jumppad:
0x0: {  	(pc) =	sbr.rel $0x88, $3  }
0x1: {  	(tag) =	ssettag $0x0;
	lr =	simm.s32 $0x1  }
0x2: {  	[smem:$0x3F9F] =	sst lr;
	_ =	strace $0xD0000000  }
0x3: {  	_ = 	snop  }
0x4: {  	_ = 	snop  }
0x5: {  	_ = 	snop  }
0x6: {  	_ = 	snop  }
0x7: {  	_ = 	snop  }
__scs_overlays_trampoline_lowered:
0x8: {  	[smem:$0x3FAE] =	sst s0  }
0x9: {  	[smem:$0x3FAF] =	sst s1  }
0xa: {  	[smem:$0x3FB0] =	sst s2  }
0xb: {  	[smem:$0x3FB1] =	sst s3  }
0xc: {  	[smem:$0x3FB2] =	sst s4  }
0xd: {  	[smem:$0x3FB3] =	sst s5  }
0xe: {  	[smem:$0x3FB4] =	sst s6  }
0xf: {  	[smem:$0x3FB5] =	sst s7  }
0x10: {  	[smem:$0x3FB6] =	sst s8  }
0x11: {  	[smem:$0x3FB7] =	sst s9;
	s0 =	simm.s32 @!p0 $0x0  }
0x12: {  	s1 =	sld [smem:$0x3F9D];
	s0 =	simm.s32 @p0 $0x1  }
0x13: {  	[smem:$0x3FB8] =	sst s0;
	s0 =	simm.s32 @!p1 $0x0  }
0x14: {  	s2 =	sld [smem:$0x3F9C];
	s0 =	simm.s32 @p1 $0x1  }
0x15: {  	[smem:$0x3FB9] =	sst s0;
	s0 =	simm.s32 @!p2 $0x0  }
0x16: {  	s3 =	sld [smem:$0x3FDB];
	s0 =	simm.s32 @p2 $0x1  }
0x17: {  	s4 =	simm.s32 $0x1BF5;
	[smem:$0x3FBB] =	sst s0  }
0x18: {  	s0 =	sld [smem:$0x3F9E];
	_ =	swait.ge [sflag:s4], $0x0  }
0x19: {  	s7 =	sld [smem:$0x3F9F]  }
0x1a: {  	s8 =	sadd.s32 $0xFFFFE003, lr  }
0x1b: {  	s9 =	sadd.s32 $0xFFFFFEF7, lr;
	s5 =	simm.s32 $0xFFFFFFFF;
	p2 =	slt.u32 s8, $0xFFFFF086  }
0x1c: {  	p1 =	slt.u32 s9, $0xF7A;
	s5 =	simm.s32 @!p2 $0x0  }
0x1d: {  	s5 =	simm.s32 @p1 $0x1;
	p0 =	seq.s32 s7, s2  }
0x1e: {  	s7 =	smul.u32 @!p0 $0xF7A, s2;
	p2 =	seq.s32 @!p0 s5, $0x0  }
0x1f: {  	s9 =	smul.u32 $0xF7A, s1;
	s8 =	simm.s32 @!p0 $0x1BF5;
	p2 =	por !p2, p0  }
0x20: {  	[sflag:s8] =	ssyncset.s32 @!p0 $0xFFFFF086;
	s6 =	sadd.s32 @!p0 s3, s7;
	s7 =	simm.s32 @!p0 $0x108  }
0x21: {  	s3 =	sadd.s32 s3, s9;
	s6 =	sadd.s32 @!p0 $0x88, s6;
	s7 =	simm.s32 @p2 $0x1082  }
0x22: {  	[simem:s7], [sflag:s8] =	dma.local @!p0 [hbm:s6], $0xF7A  }
0x23: {  	s9 =	sor.u32 $0xD0000000, s2;
	s6 =	simm.s32 $0x108;
	_ =	swait.ge @!p0 [sflag:s8], $0x0  }
0x24: {  	s3 =	sadd.s32 $0x88, s3;
	s6 =	simm.s32 @!p1 $0x1082;
	[sflag:s4] =	ssyncset.s32 $0xFFFFF086  }
0x25: {  	[simem:s6], [sflag:s4] =	dma.local [hbm:s3], $0xF7A  }
0x26: {  	[smem:$0x3F9F] =	sst s1;
	(tag) =	ssettag s2;
	_ =	strace s9  }
0x27: {  	s1 =	sld [smem:$0x3FAF]  }
0x28: {  	s2 =	sld [smem:$0x3FB0]  }
0x29: {  	s4 =	sld [smem:$0x3FB2]  }
0x2a: {  	p0 =	seq.s32 s5, $0x0;
	s5 =	sld [smem:$0x3FB3]  }
0x2b: {  	s6 =	sld [smem:$0x3FB4]  }
0x2c: {  	s7 =	sld [smem:$0x3FB5]  }
0x2d: {  	s3 =	simm.s32 $0x108;
	s8 =	sld [smem:$0x3FB6]  }
0x2e: {  	s3 =	simm.s32 @!p0 $0x1082;
	s9 =	sld [smem:$0x3FB7]  }
0x2f: {  	lr =	sadd.s32 s0, s3;
	s0 =	sld [smem:$0x3FAE]  }
0x30: {  	s3 =	sld [smem:$0x3FB1]  }
0x31: {  	[smem:$0x3FBA] =	sst s10  }
0x32: {  	s10 =	sld [smem:$0x3FB8];
	_ =	sdelay $0x3  }
0x33: {  	p0 =	seq.s32 s10, $0x1;
	s10 =	sld [smem:$0x3FBA];
	_ =	sdelay $0x3  }
0x34: {  	[smem:$0x3FBA] =	sst s10  }
0x35: {  	s10 =	sld [smem:$0x3FB9];
	_ =	sdelay $0x3  }
0x36: {  	p1 =	seq.s32 s10, $0x1;
	s10 =	sld [smem:$0x3FBA];
	_ =	sdelay $0x3  }
0x37: {  	[smem:$0x3FBA] =	sst s10  }
0x38: {  	s10 =	sld [smem:$0x3FBB]  }
0x39: {  	_ = 	snop;
	(pc) =	sbr.ind lr, $3  }
0x3a: {  	_ = 	snop  }
0x3b: {  	_ = 	snop  }
0x3c: {  	p2 =	seq.s32 s10, $0x1;
	s10 =	sld [smem:$0x3FBA]  }
0x3d: {  	_ =	shalt  }
0x3e: {  	_ =	shalt  }
0x3f: {  	_ =	shalt  }
0x40: {  	_ =	shalt  }
0x41: {  	_ =	shalt  }
0x42: {  	_ =	shalt  }
0x43: {  	_ =	shalt  }
0x44: {  	_ =	shalt  }
0x45: {  	_ =	shalt  }
0x46: {  	_ =	shalt  }
0x47: {  	_ =	shalt  }
0x48: {  	_ =	shalt  }
0x49: {  	_ =	shalt  }
0x4a: {  	_ =	shalt  }
0x4b: {  	_ =	shalt  }
0x4c: {  	_ =	shalt  }
0x4d: {  	_ =	shalt  }
0x4e: {  	_ =	shalt  }
0x4f: {  	_ =	shalt  }
0x50: {  	_ =	shalt  }
0x51: {  	_ =	shalt  }
0x52: {  	_ =	shalt  }
0x53: {  	_ =	shalt  }
0x54: {  	_ =	shalt  }
0x55: {  	_ =	shalt  }
0x56: {  	_ =	shalt  }
0x57: {  	_ =	shalt  }
0x58: {  	_ =	shalt  }
0x59: {  	_ =	shalt  }
0x5a: {  	_ =	shalt  }
0x5b: {  	_ =	shalt  }
0x5c: {  	_ =	shalt  }
0x5d: {  	_ =	shalt  }
0x5e: {  	_ =	shalt  }
0x5f: {  	_ =	shalt  }
0x60: {  	_ =	shalt  }
0x61: {  	_ =	shalt  }
0x62: {  	_ =	shalt  }
0x63: {  	_ =	shalt  }
0x64: {  	_ =	shalt  }
0x65: {  	_ =	shalt  }
0x66: {  	_ =	shalt  }
0x67: {  	_ =	shalt  }
0x68: {  	_ =	shalt  }
0x69: {  	_ =	shalt  }
0x6a: {  	_ =	shalt  }
0x6b: {  	_ =	shalt  }
0x6c: {  	_ =	shalt  }
0x6d: {  	_ =	shalt  }
0x6e: {  	_ =	shalt  }
0x6f: {  	_ =	shalt  }
0x70: {  	_ =	shalt  }
0x71: {  	_ =	shalt  }
0x72: {  	_ =	shalt  }
0x73: {  	_ =	shalt  }
0x74: {  	_ =	shalt  }
0x75: {  	_ =	shalt  }
0x76: {  	_ =	shalt  }
0x77: {  	_ =	shalt  }
0x78: {  	_ =	shalt  }
0x79: {  	_ =	shalt  }
0x7a: {  	_ =	shalt  }
0x7b: {  	_ =	shalt  }
0x7c: {  	_ =	shalt  }
0x7d: {  	_ =	shalt  }
0x7e: {  	_ =	shalt  }
0x7f: {  	_ =	shalt  }
0x80: {  	_ =	shalt  }
0x81: {  	_ =	shalt  }
0x82: {  	_ =	shalt  }
0x83: {  	_ =	shalt  }
0x84: {  	_ =	shalt  }
0x85: {  	_ =	shalt  }
0x86: {  	_ =	shalt  }
0x87: {  	_ =	shalt  }
.Lfunc_end0:
.L_simem_size_0:
called_computation_lowered:
.L_overlay_start_0:
0x88: {  	s2 =	sld [smem:$0x3FD9]  }
0x89: {  	s3 =	sld [smem:$0x3FFE];
	_ =	sdelay $0x1  }
0x8a: {  	s1 =	srdreg.scid  }
0x8b: {  	s0 =	sand.u32 $0x1, s1  }
0x8c: {  	s14 =	sshll.u32 s0, $0xA;
	s2 =	sadd.s32 s3, s2  }
0x8d: {  	s2 =	sadd.s32 s2, s14  }
0x8e: {  	[smem:$0x3FC6] =	sst s2  }
0x8f: {  	_ = 	snop  }
0x90: {  	s2 =	sld [smem:$0x3FD0];
	_ =	sdelay $0x2  }
0x91: {  	s4 =	simm.s32 $0xA;
	s5 =	simm.s32 $0x10;
	s15 =	sld [smem:$0x3FC8]  }
0x92: {  	[smem:s5], [sflag:s4] =	dma.local [hbm:s2], $0x1  }
0x93: {  	_ =	swait.eq [sflag:s4], $0x1  }
0x94: {  	[sflag:s4] =	ssyncset.done $0x0  }
0x95: {  	[sflag:s4] =	ssyncadd.s32 $0xFFFFFFFF  }
0x96: {  	s16 =	sld [smem:$0x10];
	(tm) =	ssettm $0x1  }
0x97: {  	s17 =	sld [smem:$0x3FFB];
	_ =	sdelay $0x3  }
0x98: {  	_ =	strace s17  }
0x99: {  	s4 =	sld [smem:$0x3FFC];
	_ =	sdelay $0x3  }
0x9a: {  	_ =	strace s4  }
0x9b: {  	s4 =	sld [smem:$0x3FFD];
	_ =	sdelay $0x3  }
0x9c: {  	_ =	strace s4  }
0x9d: {  	_ =	strace $0x8FFFFFFF  }
0x9e: {  	s18 =	sld [smem:$0x3FDB];
	_ =	sdelay $0x1  }
0x9f: {  	s19 =	simm.s32 $_scs_section_size  }
0xa0: {  	s6 =	simm.s32 $_size__tile_overlayer_lowered;
	s7 =	simm.s32 $_tile_overlayer_lowered  }
0xa1: {  	s22 =	simm.s32 $0x1BFF;
	s21 =	sshll.u32 s7, $0x1;
	s4 =	sadd.s32 s19, s18  }
0xa2: {  	s8 =	simm.s32 $0x0;
	s20 =	sshll.u32 s6, $0x1;
	s6 =	sadd.s32 s21, s4  }
0xa3: {  	[timem:s8], [sflag:s22] =	dma.local [hbm:s6], s20  }
0xa4: {  	_ =	swait.ge [sflag:s22], s20  }
0xa5: {  	s5 =	ssub.s32 $0x0, s20;
	[sflag:s22] =	ssyncset.done $0x0  }
0xa6: {  	[sflag:s22] =	ssyncadd.s32 s5;
	_ =	sdelay $0x1  }
0xa7: {  	s23 =	simm.s32 $0x1B8B  }
0xa8: {  	_ =	swait.ge [sflag:s23], $0x1  }
0xa9: {  	[sflag:s23] =	ssyncset.done $0x0  }
0xaa: {  	s25 =	simm.s32 $0x1B8E;
	s24 =	sld [smem:$0x3FFE];
	[sflag:s23] =	ssyncadd.s32 $0xFFFFFFFF  }
0xab: {  	s26 =	simm.s32 $execute0_lowered;
	[smem:$0x3FD2] =	sst s25  }
0xac: {  	s6 =	sshll.u32 s26, $0x1;
	_ =	strace $0x80000046;
	[dreg:$0x1] =	wrdreg $0xFFFFFFFF  }
0xad: {  	s28 =	simm.s32 $_size_execute0_lowered;
	s4 =	sadd.s32 s4, s6;
	[dreg:$0x0] =	wrdreg $0x0  }
0xae: {  	s6 =	sshll.u32 s28, $0x1;
	[dreg:$0x2] =	wrdreg s4  }
0xaf: {  	[dreg:$0x3] =	wrdreg s6  }
0xb0: {  	[dreg:$0x4] =	wrdreg $0xC0  }
0xb1: {  	_ =	task [dreg:s8], $0x5FFFF  }
0xb2: {  	[dreg:$0x1] =	wrdreg $0xFFFFFFFF  }
0xb3: {  	[dreg:$0x0] =	wrdreg $0x60  }
0xb4: {  	[dreg:$0x2] =	wrdreg s24  }
0xb5: {  	[dreg:$0x3] =	wrdreg s15  }
0xb6: {  	[dreg:$0x4] =	wrdreg s16  }
0xb7: {  	[dreg:$0x5] =	wrdreg $0x9  }
0xb8: {  	_ =	task.clear_ibuf [dreg:s8], $0x6FFFF;
	_ =	strace $0x90000046  }
0xb9: {  	s29 =	simm.s32 $0x9;
	_ =	strace $0x80000048  }
0xba: {  	_ =	swait.ge [sflag:s29], $0x1  }
0xbb: {  	[sflag:s29] =	ssyncadd.s32 $0xFFFFFFFF  }
0xbc: {  	_ =	strace $0x90000048  }
0xbd: {  	_ =	sfence  }
0xbe: {  	s30 =	sld [smem:$0x0];
	_ =	sdelay $0x2  }
0xbf: {  	s31 =	sshll.u32 s1, $0xD;
	s1 =	sshrl.u32 s1, $0x2  }
0xc0: {  	s3 =	sand.u32 $0x4000, s31;
	s1 =	sadd.s32 s1, s30  }
0xc1: {  	s0 =	sor.u32 s3, s0;
	s1 =	sshll.u32 s1, $0x11  }
0xc2: {  	s0 =	sor.u32 s1, s0  }
0xc3: {  	s0 =	sadd.s32 $0x8F2B, s0  }
0xc4: {  	[sflag:s0] =	ssyncadd.remote.s32 $0x1  }
0xc5: {  	_ =	sfence.sel $0xFFFF  }
0xc6: {  	[dreg:$0x0] =	wrdreg $0xFFFFFFFF;
	(pc) =	sbr.abs _section_cstart, $3  }
0xc7: {  	[dreg:$0x1] =	wrdreg $0xFFFFFFFF  }
0xc8: {  	_ =	task.clear_ibuf [dreg:s8], $0x2FFFF;
	_ =	strace $0x9FFFFFFF  }
0xc9: {  	(tm) =	ssettm $0x7FFFFFFF  }
tec
execute0_lowered:
.L_overlay_start_1:
0x0: {  	(tag) =	ssettag $0x1  }
0x1: {  	s0 =	rddreg [dreg:$0x0]  }
0x2: {  	s1 =	srdreg.scid;
	s2 =	rddreg [dreg:$0x1]  }
0x3: {  	s21 =	stileid.u32;
	s4 =	rddreg [dreg:$0x2]  }
0x4: {  	s3 =	simm.s32 $0x0;
	s30 =	simm.s32 $0x8080;
	s29 =	simm.s32 $0x8880  }
0x5: {  	s28 =	simm.s32 $0xA880;
	s31 =	simm.s32 $0x6;
	s1 =	sand.u32 $0x1, s1  }
0x6: {  	s5 =	sshll.u32 s21, $0x8;
	[smem:$0x7FF] =	sst s3;
	s7 =	sadd.s32 $0x300, s2  }
0x7: {  	s8 =	sadd.s32 $0x400, s2;
	s9 =	sadd.s32 $0x500, s2;
	s10 =	sadd.s32 $0x600, s2  }
0x8: {  	s11 =	sadd.s32 $0x700, s2;
	s12 =	sadd.s32 $0x800, s2;
	s13 =	sadd.s32 $0x900, s2  }
0x9: {  	s14 =	sadd.s32 $0xA00, s2;
	s15 =	sadd.s32 $0xB00, s2;
	s16 =	sadd.s32 $0xC00, s2  }
0xa: {  	s18 =	sadd.s32 $0xE00, s2;
	s23 =	sshll.u32 s21, $0x11;
	s21 =	simm.s32 $0xA080  }
0xb: {  	s6 =	sshll.u32 s1, $0x7;
	s19 =	ssub.s32 $0x2, s1;
	_ =	strace $0x80000047  }
0xc: {  	s1 =	sshll.u32 s1, $0x10;
	s17 =	sor.u32 s6, s5;
	s20 =	sshrl.u32 s19, $0x1  }
0xd: {  	s6 =	sadd.s32 $0x200, s2;
	s5 =	sshrl.u32 s17, $0x3;
	s22 =	sshll.u32 s17, $0x9  }
0xe: {  	s19 =	ssub.s32 s19, s20;
	s17 =	sadd.s32 $0xD00, s2;
	s22 =	sadd.s32 s4, s22  }
0xf: {  	s0 =	sadd.s32 s5, s0;
	s26 =	smax.u32 s19, $0x1;
	[dreg:$0x6] =	wrdreg s22  }
0x10: {  	s20 =	sadd.s32 $0xF00, s2;
	s0 =	sadd.s32 $0x800, s0;
	[dreg:$0xa] =	wrdreg s26  }
0x11: {  	s5 =	sadd.s32 $0x100, s2;
	s24 =	sadd.s32 $0xE000, s22;
	[dreg:$0x5] =	wrdreg s0  }
0x12: {  	s19 =	simm.s32 $0x5;
	s25 =	sadd.s32 $0xF000, s22;
	[dreg:$0x8] =	wrdreg s24  }
0x13: {  	s26 =	simm.s32 $0x10080;
	s0 =	sadd.s32 $0x1000, s22;
	[dreg:$0x9] =	wrdreg s25  }
0x14: {  	s22 =	simm.s32 $0x9080;
	[dreg:$0x7] =	wrdreg s0;
	s0 =	sadd.s32 s23, s4  }
0x15: {  	v0 =	vlaneseq.u32;
	s25 =	simm.s32 $0x9880;
	s24 =	simm.s32 $0x4;
	s0 =	sadd.s32 s1, s0  }
0x16: {  	v1 =	vshrl.u32 v0, $0x3;
	s23 =	simm.s32 $0x2;
	s1 =	simm.s32 $0x0;
	[dreg:$0x4] =	wrdreg s0  }
0x17: {  	vm0 =	vmmov $0xffff;
	v0 =	vand.u32 $0x7, v0;
	v1 =	vmul.u32 $0x8, v1;
	s4 =	simm.s32 $0x3;
	s0 =	simm.s32 $0x1;
	[dreg:$0xb] =	wrdreg s1  }
.LBB2_1:
0x18: {  	s1 =	rddreg [dreg:$0x5]  }
0x19: {  	[tilespmem:s3], [sflag:$0x7] =	stream.linear.gather [hbm4b:s1+s3], $0x80, $0x38;
	[tilespmem:$0x18080] =	vst v63  }
0x1a: {  	s1 =	simm.s32 $0x7  }
0x1b: {  	_ =	swait.ge [sflag:s1], $0x80  }
0x1c: {  	[sflag:s1] =	ssyncset.done $0x0  }
0x1d: {  	[sflag:s1] =	ssyncadd.s32 $0xFFFFFF80  }
0x1e: {  	v2 =	vld.msk [tilespmem:$0x0], $0xff;
	_ =	sdelay $0x4  }
0x1f: {  	v3 =	vshll.u32 v2, $0x5  }
0x20: {  	v2 =	vand.u32 $0x7, v2;
	v3 =	vand.u32 $0xFFFFFF00, v3  }
0x21: {  	v2 =	vor.u32 v2, v3  }
0x22: {  	v2 =	vperm.xlane v2, v0;
	_ =	sdelay $0x1  }
0x23: {  	v2 =	vadd.s32 v1, v2;
	_ =	sdelay $0x3  }
0x24: {  	s1 =	simm.s32 $0x80  }
0x25: {  	[tilespmem:s1], [sflag:$0x1] =	stream.indirect_vreg.gather [hbm4b:s2+s3], $0x80, v2, vm0, $0xb8;
	[tilespmem:$0x18080] =	vst v63  }
0x26: {  	s1 =	simm.s32 $0x880  }
0x27: {  	[tilespmem:s1], [sflag:$0x1] =	stream.indirect_vreg.gather [hbm4b:s5+s3], $0x80, v2, vm0, $0xb8;
	[tilespmem:$0x18080] =	vst v63  }
0x28: {  	s1 =	simm.s32 $0x1080  }
0x29: {  	[tilespmem:s1], [sflag:$0x1] =	stream.indirect_vreg.gather [hbm4b:s6+s3], $0x80, v2, vm0, $0xb8;
	[tilespmem:$0x18080] =	vst v63  }
0x2a: {  	s1 =	simm.s32 $0x1880  }
0x2b: {  	[tilespmem:s1], [sflag:$0x1] =	stream.indirect_vreg.gather [hbm4b:s7+s3], $0x80, v2, vm0, $0xb8;
	[tilespmem:$0x18080] =	vst v63  }
0x2c: {  	s1 =	simm.s32 $0x2080  }
0x2d: {  	[tilespmem:s1], [sflag:$0x1] =	stream.indirect_vreg.gather [hbm4b:s8+s3], $0x80, v2, vm0, $0xb8;
	[tilespmem:$0x18080] =	vst v63  }
0x2e: {  	s1 =	simm.s32 $0x2880  }
0x2f: {  	[tilespmem:s1], [sflag:$0x1] =	stream.indirect_vreg.gather [hbm4b:s9+s3], $0x80, v2, vm0, $0xb8;
	[tilespmem:$0x18080] =	vst v63  }
0x30: {  	s1 =	simm.s32 $0x3080  }
0x31: {  	[tilespmem:s1], [sflag:$0x1] =	stream.indirect_vreg.gather [hbm4b:s10+s3], $0x80, v2, vm0, $0xb8;
	[tilespmem:$0x18080] =	vst v63  }
0x32: {  	s1 =	simm.s32 $0x3880  }
0x33: {  	[tilespmem:s1], [sflag:$0x1] =	stream.indirect_vreg.gather [hbm4b:s11+s3], $0x80, v2, vm0, $0xb8;
	[tilespmem:$0x18080] =	vst v63  }
0x34: {  	s1 =	simm.s32 $0x4080  }
0x35: {  	[tilespmem:s1], [sflag:$0x1] =	stream.indirect_vreg.gather [hbm4b:s12+s3], $0x80, v2, vm0, $0xb8;
	[tilespmem:$0x18080] =	vst v63  }
0x36: {  	s1 =	simm.s32 $0x4880  }
0x37: {  	[tilespmem:s1], [sflag:$0x1] =	stream.indirect_vreg.gather [hbm4b:s13+s3], $0x80, v2, vm0, $0xb8;
	[tilespmem:$0x18080] =	vst v63  }
0x38: {  	s1 =	simm.s32 $0x5080  }
0x39: {  	[tilespmem:s1], [sflag:$0x1] =	stream.indirect_vreg.gather [hbm4b:s14+s3], $0x80, v2, vm0, $0xb8;
	[tilespmem:$0x18080] =	vst v63  }
0x3a: {  	s1 =	simm.s32 $0x5880  }
0x3b: {  	[tilespmem:s1], [sflag:$0x1] =	stream.indirect_vreg.gather [hbm4b:s15+s3], $0x80, v2, vm0, $0xb8;
	[tilespmem:$0x18080] =	vst v63  }
0x3c: {  	s1 =	simm.s32 $0x6080  }
0x3d: {  	[tilespmem:s1], [sflag:$0x1] =	stream.indirect_vreg.gather [hbm4b:s16+s3], $0x80, v2, vm0, $0xb8;
	[tilespmem:$0x18080] =	vst v63  }
0x3e: {  	s1 =	simm.s32 $0x6880  }
0x3f: {  	[tilespmem:s1], [sflag:$0x1] =	stream.indirect_vreg.gather [hbm4b:s17+s3], $0x80, v2, vm0, $0xb8;
	[tilespmem:$0x18080] =	vst v63  }
0x40: {  	s1 =	simm.s32 $0x7080  }
0x41: {  	[tilespmem:s1], [sflag:$0x1] =	stream.indirect_vreg.gather [hbm4b:s18+s3], $0x80, v2, vm0, $0xb8;
	[tilespmem:$0x18080] =	vst v63  }
0x42: {  	s1 =	simm.s32 $0x7880  }
0x43: {  	[tilespmem:s1], [sflag:$0x1] =	stream.indirect_vreg.gather [hbm4b:s20+s3], $0x80, v2, vm0, $0xb8;
	[tilespmem:$0x18080] =	vst v63  }
0x44: {  	v2 =	vld.msk [tilespmem:$0x8], $0xff;
	_ =	sdelay $0x4  }
0x45: {  	v3 =	vshll.u32 v2, $0x5  }
0x46: {  	v2 =	vand.u32 $0x7, v2;
	v3 =	vand.u32 $0xFFFFFF00, v3  }
0x47: {  	v2 =	vor.u32 v2, v3  }
0x48: {  	v2 =	vperm.xlane v2, v0;
	_ =	sdelay $0x1  }
0x49: {  	v2 =	vadd.s32 v1, v2;
	_ =	sdelay $0x4  }
0x4a: {  	[tilespmem:s30], [sflag:$0x2] =	stream.indirect_vreg.gather [hbm4b:s2+s3], $0x80, v2, vm0, $0xb8;
	[tilespmem:$0x18080] =	vst v63  }
0x4b: {  	_ = 	snop  }
0x4c: {  	[tilespmem:s29], [sflag:$0x2] =	stream.indirect_vreg.gather [hbm4b:s5+s3], $0x80, v2, vm0, $0xb8;
	[tilespmem:$0x18080] =	vst v63  }
0x4d: {  	_ = 	snop  }
0x4e: {  	[tilespmem:s22], [sflag:$0x2] =	stream.indirect_vreg.gather [hbm4b:s6+s3], $0x80, v2, vm0, $0xb8;
	[tilespmem:$0x18080] =	vst v63  }
0x4f: {  	_ = 	snop  }
0x50: {  	[tilespmem:s25], [sflag:$0x2] =	stream.indirect_vreg.gather [hbm4b:s7+s3], $0x80, v2, vm0, $0xb8;
	[tilespmem:$0x18080] =	vst v63  }
0x51: {  	_ = 	snop  }
0x52: {  	[tilespmem:s21], [sflag:$0x2] =	stream.indirect_vreg.gather [hbm4b:s8+s3], $0x80, v2, vm0, $0xb8;
	[tilespmem:$0x18080] =	vst v63  }
0x53: {  	_ = 	snop  }
0x54: {  	[tilespmem:s28], [sflag:$0x2] =	stream.indirect_vreg.gather [hbm4b:s9+s3], $0x80, v2, vm0, $0xb8;
	[tilespmem:$0x18080] =	vst v63  }
0x55: {  	s21 =	simm.s32 $0xB080  }
0x56: {  	[tilespmem:s21], [sflag:$0x2] =	stream.indirect_vreg.gather [hbm4b:s10+s3], $0x80, v2, vm0, $0xb8;
	[tilespmem:$0x18080] =	vst v63  }
0x57: {  	s22 =	simm.s32 $0xB880  }
0x58: {  	[tilespmem:s22], [sflag:$0x2] =	stream.indirect_vreg.gather [hbm4b:s11+s3], $0x80, v2, vm0, $0xb8;
	[tilespmem:$0x18080] =	vst v63  }
0x59: {  	s25 =	simm.s32 $0xC080  }
0x5a: {  	[tilespmem:s25], [sflag:$0x2] =	stream.indirect_vreg.gather [hbm4b:s12+s3], $0x80, v2, vm0, $0xb8;
	[tilespmem:$0x18080] =	vst v63  }
0x5b: {  	s29 =	simm.s32 $0xC880  }
0x5c: {  	[tilespmem:s29], [sflag:$0x2] =	stream.indirect_vreg.gather [hbm4b:s13+s3], $0x80, v2, vm0, $0xb8;
	[tilespmem:$0x18080] =	vst v63  }
0x5d: {  	s21 =	simm.s32 $0xD080  }
0x5e: {  	[tilespmem:s21], [sflag:$0x2] =	stream.indirect_vreg.gather [hbm4b:s14+s3], $0x80, v2, vm0, $0xb8;
	[tilespmem:$0x18080] =	vst v63  }
0x5f: {  	s22 =	simm.s32 $0xD880  }
0x60: {  	[tilespmem:s22], [sflag:$0x2] =	stream.indirect_vreg.gather [hbm4b:s15+s3], $0x80, v2, vm0, $0xb8;
	[tilespmem:$0x18080] =	vst v63  }
0x61: {  	s25 =	simm.s32 $0xE080  }
0x62: {  	[tilespmem:s25], [sflag:$0x2] =	stream.indirect_vreg.gather [hbm4b:s16+s3], $0x80, v2, vm0, $0xb8;
	[tilespmem:$0x18080] =	vst v63  }
0x63: {  	s29 =	simm.s32 $0xE880  }
0x64: {  	[tilespmem:s29], [sflag:$0x2] =	stream.indirect_vreg.gather [hbm4b:s17+s3], $0x80, v2, vm0, $0xb8;
	[tilespmem:$0x18080] =	vst v63  }
0x65: {  	s21 =	simm.s32 $0xF080  }
0x66: {  	[tilespmem:s21], [sflag:$0x2] =	stream.indirect_vreg.gather [hbm4b:s18+s3], $0x80, v2, vm0, $0xb8;
	[tilespmem:$0x18080] =	vst v63  }
0x67: {  	s22 =	simm.s32 $0xF880  }
0x68: {  	[tilespmem:s22], [sflag:$0x2] =	stream.indirect_vreg.gather [hbm4b:s20+s3], $0x80, v2, vm0, $0xb8;
	[tilespmem:$0x18080] =	vst v63  }
0x69: {  	v2 =	vld.msk [tilespmem:$0x10], $0xff;
	_ =	sdelay $0x4  }
0x6a: {  	v3 =	vshll.u32 v2, $0x5  }
0x6b: {  	v2 =	vand.u32 $0x7, v2;
	v3 =	vand.u32 $0xFFFFFF00, v3  }
0x6c: {  	v2 =	vor.u32 v2, v3  }
0x6d: {  	v2 =	vperm.xlane v2, v0;
	_ =	sdelay $0x1  }
0x6e: {  	v2 =	vadd.s32 v1, v2;
	_ =	sdelay $0x4  }
0x6f: {  	[tilespmem:s26], [sflag:$0x3] =	stream.indirect_vreg.gather [hbm4b:s2+s3], $0x80, v2, vm0, $0xb8;
	[tilespmem:$0x18080] =	vst v63  }
0x70: {  	s25 =	simm.s32 $0x10880  }
0x71: {  	[tilespmem:s25], [sflag:$0x3] =	stream.indirect_vreg.gather [hbm4b:s5+s3], $0x80, v2, vm0, $0xb8;
	[tilespmem:$0x18080] =	vst v63  }
0x72: {  	s26 =	simm.s32 $0x11080  }
0x73: {  	[tilespmem:s26], [sflag:$0x3] =	stream.indirect_vreg.gather [hbm4b:s6+s3], $0x80, v2, vm0, $0xb8;
	[tilespmem:$0x18080] =	vst v63  }
0x74: {  	s29 =	simm.s32 $0x11880  }
0x75: {  	[tilespmem:s29], [sflag:$0x3] =	stream.indirect_vreg.gather [hbm4b:s7+s3], $0x80, v2, vm0, $0xb8;
	[tilespmem:$0x18080] =	vst v63  }
0x76: {  	s21 =	simm.s32 $0x12080  }
0x77: {  	[tilespmem:s21], [sflag:$0x3] =	stream.indirect_vreg.gather [hbm4b:s8+s3], $0x80, v2, vm0, $0xb8;
	[tilespmem:$0x18080] =	vst v63  }
0x78: {  	s22 =	simm.s32 $0x12880  }
0x79: {  	[tilespmem:s22], [sflag:$0x3] =	stream.indirect_vreg.gather [hbm4b:s9+s3], $0x80, v2, vm0, $0xb8;
	[tilespmem:$0x18080] =	vst v63  }
0x7a: {  	s25 =	simm.s32 $0x13080  }
0x7b: {  	[tilespmem:s25], [sflag:$0x3] =	stream.indirect_vreg.gather [hbm4b:s10+s3], $0x80, v2, vm0, $0xb8;
	[tilespmem:$0x18080] =	vst v63  }
0x7c: {  	s26 =	simm.s32 $0x13880  }
0x7d: {  	[tilespmem:s26], [sflag:$0x3] =	stream.indirect_vreg.gather [hbm4b:s11+s3], $0x80, v2, vm0, $0xb8;
	[tilespmem:$0x18080] =	vst v63  }
0x7e: {  	s29 =	simm.s32 $0x14080  }
0x7f: {  	[tilespmem:s29], [sflag:$0x3] =	stream.indirect_vreg.gather [hbm4b:s12+s3], $0x80, v2, vm0, $0xb8;
	[tilespmem:$0x18080] =	vst v63  }
0x80: {  	s21 =	simm.s32 $0x14880  }
0x81: {  	[tilespmem:s21], [sflag:$0x3] =	stream.indirect_vreg.gather [hbm4b:s13+s3], $0x80, v2, vm0, $0xb8;
	[tilespmem:$0x18080] =	vst v63  }
0x82: {  	s22 =	simm.s32 $0x15080  }
0x83: {  	[tilespmem:s22], [sflag:$0x3] =	stream.indirect_vreg.gather [hbm4b:s14+s3], $0x80, v2, vm0, $0xb8;
	[tilespmem:$0x18080] =	vst v63  }
0x84: {  	s25 =	simm.s32 $0x15880  }
0x85: {  	[tilespmem:s25], [sflag:$0x3] =	stream.indirect_vreg.gather [hbm4b:s15+s3], $0x80, v2, vm0, $0xb8;
	[tilespmem:$0x18080] =	vst v63  }
0x86: {  	s26 =	simm.s32 $0x16080  }
0x87: {  	[tilespmem:s26], [sflag:$0x3] =	stream.indirect_vreg.gather [hbm4b:s16+s3], $0x80, v2, vm0, $0xb8;
	[tilespmem:$0x18080] =	vst v63  }
0x88: {  	s29 =	simm.s32 $0x16880  }
0x89: {  	[tilespmem:s29], [sflag:$0x3] =	stream.indirect_vreg.gather [hbm4b:s17+s3], $0x80, v2, vm0, $0xb8;
	[tilespmem:$0x18080] =	vst v63  }
0x8a: {  	s21 =	simm.s32 $0x17080  }
0x8b: {  	[tilespmem:s21], [sflag:$0x3] =	stream.indirect_vreg.gather [hbm4b:s18+s3], $0x80, v2, vm0, $0xb8;
	[tilespmem:$0x18080] =	vst v63  }
0x8c: {  	s22 =	simm.s32 $0x17880  }
0x8d: {  	[tilespmem:s22], [sflag:$0x3] =	stream.indirect_vreg.gather [hbm4b:s20+s3], $0x80, v2, vm0, $0xb8;
	[tilespmem:$0x18080] =	vst v63  }
0x8e: {  	_ =	swait.ge [sflag:s0], $0x8000  }
0x8f: {  	[sflag:s0] =	ssyncset.done $0x0  }
0x90: {  	s26 =	simm.s32 $0x80;
	s25 =	rddreg [dreg:$0x6];
	[sflag:s0] =	ssyncadd.s32 $0xFFFF8000  }
0x91: {  	[hbm4b:s25+s3] =	stream.linear.scatter [tilespmem:s26], [sflag:$0x4], $0x8000, $0x38;
	[tilespmem:$0x18080] =	vst v63  }
0x92: {  	_ =	swait.ge [sflag:s23], $0x8000  }
0x93: {  	s28 =	simm.s32 $0x0;
	s22 =	simm.s32 $0xA880;
	[sflag:s23] =	ssyncset.done $0x0  }
0x94: {  	s25 =	simm.s32 $0x28;
	s29 =	rddreg [dreg:$0x7];
	[sflag:s23] =	ssyncadd.s32 $0xFFFF8000  }
0x95: {  	[hbm4b:s29+s3] =	stream.linear.scatter [tilespmem:s30], [sflag:$0x5], $0x8000, $0x38;
	[tilespmem:$0x18080] =	vst v63  }
.LBB2_2:
0x96: {  	_ =	swait.ge [sflag:s4], $0x8000  }
0x97: {  	s1 =	rddreg [dreg:$0x4]  }
0x98: {  	[sflag:s4] =	ssyncset.done $0x0;
	s1 =	sadd.s32 s28, s1  }
0x99: {  	s21 =	simm.s32 $0x10080;
	[sflag:s4] =	ssyncadd.s32 $0xFFFF8000;
	s29 =	sadd.s32 $0x2000, s1  }
0x9a: {  	[hbm4b:s29+s3] =	stream.linear.scatter [tilespmem:s21], [sflag:$0x6], $0x8000, $0x38;
	[tilespmem:$0x18080] =	vst v63  }
0x9b: {  	_ =	swait.ge [sflag:s24], $0x8000  }
0x9c: {  	[sflag:s24] =	ssyncset.done $0x0  }
0x9d: {  	[sflag:s24] =	ssyncadd.s32 $0xFFFF8000  }
0x9e: {  	v2 =	vld.msk [tilespmem:s25+$0xFFFFFFF0], $0xff;
	_ =	sdelay $0x4  }
0x9f: {  	v3 =	vshll.u32 v2, $0x5  }
0xa0: {  	v2 =	vand.u32 $0x7, v2;
	v3 =	vand.u32 $0xFFFFFF00, v3  }
0xa1: {  	v2 =	vor.u32 v2, v3  }
0xa2: {  	v2 =	vperm.xlane v2, v0;
	_ =	sdelay $0x1  }
0xa3: {  	v2 =	vadd.s32 v1, v2;
	_ =	sdelay $0x3  }
0xa4: {  	s30 =	simm.s32 $0x80  }
0xa5: {  	[tilespmem:s30], [sflag:$0x1] =	stream.indirect_vreg.gather [hbm4b:s2+s3], $0x80, v2, vm0, $0xb8;
	[tilespmem:$0x18080] =	vst v63  }
0xa6: {  	s29 =	simm.s32 $0x880  }
0xa7: {  	[tilespmem:s29], [sflag:$0x1] =	stream.indirect_vreg.gather [hbm4b:s5+s3], $0x80, v2, vm0, $0xb8;
	[tilespmem:$0x18080] =	vst v63  }
0xa8: {  	s29 =	simm.s32 $0x1080  }
0xa9: {  	[tilespmem:s29], [sflag:$0x1] =	stream.indirect_vreg.gather [hbm4b:s6+s3], $0x80, v2, vm0, $0xb8;
	[tilespmem:$0x18080] =	vst v63  }
0xaa: {  	s29 =	simm.s32 $0x1880  }
0xab: {  	[tilespmem:s29], [sflag:$0x1] =	stream.indirect_vreg.gather [hbm4b:s7+s3], $0x80, v2, vm0, $0xb8;
	[tilespmem:$0x18080] =	vst v63  }
0xac: {  	s29 =	simm.s32 $0x2080  }
0xad: {  	[tilespmem:s29], [sflag:$0x1] =	stream.indirect_vreg.gather [hbm4b:s8+s3], $0x80, v2, vm0, $0xb8;
	[tilespmem:$0x18080] =	vst v63  }
0xae: {  	s29 =	simm.s32 $0x2880  }
0xaf: {  	[tilespmem:s29], [sflag:$0x1] =	stream.indirect_vreg.gather [hbm4b:s9+s3], $0x80, v2, vm0, $0xb8;
	[tilespmem:$0x18080] =	vst v63  }
0xb0: {  	s29 =	simm.s32 $0x3080  }
0xb1: {  	[tilespmem:s29], [sflag:$0x1] =	stream.indirect_vreg.gather [hbm4b:s10+s3], $0x80, v2, vm0, $0xb8;
	[tilespmem:$0x18080] =	vst v63  }
0xb2: {  	s29 =	simm.s32 $0x3880  }
0xb3: {  	[tilespmem:s29], [sflag:$0x1] =	stream.indirect_vreg.gather [hbm4b:s11+s3], $0x80, v2, vm0, $0xb8;
	[tilespmem:$0x18080] =	vst v63  }
0xb4: {  	s29 =	simm.s32 $0x4080  }
0xb5: {  	[tilespmem:s29], [sflag:$0x1] =	stream.indirect_vreg.gather [hbm4b:s12+s3], $0x80, v2, vm0, $0xb8;
	[tilespmem:$0x18080] =	vst v63  }
0xb6: {  	s29 =	simm.s32 $0x4880  }
0xb7: {  	[tilespmem:s29], [sflag:$0x1] =	stream.indirect_vreg.gather [hbm4b:s13+s3], $0x80, v2, vm0, $0xb8;
	[tilespmem:$0x18080] =	vst v63  }
0xb8: {  	s29 =	simm.s32 $0x5080  }
0xb9: {  	[tilespmem:s29], [sflag:$0x1] =	stream.indirect_vreg.gather [hbm4b:s14+s3], $0x80, v2, vm0, $0xb8;
	[tilespmem:$0x18080] =	vst v63  }
0xba: {  	s29 =	simm.s32 $0x5880  }
0xbb: {  	[tilespmem:s29], [sflag:$0x1] =	stream.indirect_vreg.gather [hbm4b:s15+s3], $0x80, v2, vm0, $0xb8;
	[tilespmem:$0x18080] =	vst v63  }
0xbc: {  	s29 =	simm.s32 $0x6080  }
0xbd: {  	[tilespmem:s29], [sflag:$0x1] =	stream.indirect_vreg.gather [hbm4b:s16+s3], $0x80, v2, vm0, $0xb8;
	[tilespmem:$0x18080] =	vst v63  }
0xbe: {  	s29 =	simm.s32 $0x6880  }
0xbf: {  	[tilespmem:s29], [sflag:$0x1] =	stream.indirect_vreg.gather [hbm4b:s17+s3], $0x80, v2, vm0, $0xb8;
	[tilespmem:$0x18080] =	vst v63  }
0xc0: {  	s29 =	simm.s32 $0x7080  }
0xc1: {  	[tilespmem:s29], [sflag:$0x1] =	stream.indirect_vreg.gather [hbm4b:s18+s3], $0x80, v2, vm0, $0xb8;
	[tilespmem:$0x18080] =	vst v63  }
0xc2: {  	s29 =	simm.s32 $0x7880  }
0xc3: {  	[tilespmem:s29], [sflag:$0x1] =	stream.indirect_vreg.gather [hbm4b:s20+s3], $0x80, v2, vm0, $0xb8;
	[tilespmem:$0x18080] =	vst v63  }
0xc4: {  	_ =	swait.ge [sflag:s0], $0x8000  }
0xc5: {  	[sflag:s0] =	ssyncset.done $0x0  }
0xc6: {  	s29 =	sadd.s32 $0x3000, s1;
	[sflag:s0] =	ssyncadd.s32 $0xFFFF8000  }
0xc7: {  	[hbm4b:s29+s3] =	stream.linear.scatter [tilespmem:s30], [sflag:$0x4], $0x8000, $0x38;
	[tilespmem:$0x18080] =	vst v63  }
0xc8: {  	_ =	swait.ge [sflag:s19], $0x8000  }
0xc9: {  	[sflag:s19] =	ssyncset.done $0x0  }
0xca: {  	[sflag:s19] =	ssyncadd.s32 $0xFFFF8000  }
0xcb: {  	v2 =	vld.msk [tilespmem:s25+$0xFFFFFFF8], $0xff;
	_ =	sdelay $0x4  }
0xcc: {  	v3 =	vshll.u32 v2, $0x5  }
0xcd: {  	v2 =	vand.u32 $0x7, v2;
	v3 =	vand.u32 $0xFFFFFF00, v3  }
0xce: {  	v2 =	vor.u32 v2, v3  }
0xcf: {  	v2 =	vperm.xlane v2, v0;
	_ =	sdelay $0x1  }
0xd0: {  	v2 =	vadd.s32 v1, v2;
	_ =	sdelay $0x3  }
0xd1: {  	s30 =	simm.s32 $0x8080  }
0xd2: {  	[tilespmem:s30], [sflag:$0x2] =	stream.indirect_vreg.gather [hbm4b:s2+s3], $0x80, v2, vm0, $0xb8;
	[tilespmem:$0x18080] =	vst v63  }
0xd3: {  	s29 =	simm.s32 $0x8880  }
0xd4: {  	[tilespmem:s29], [sflag:$0x2] =	stream.indirect_vreg.gather [hbm4b:s5+s3], $0x80, v2, vm0, $0xb8;
	[tilespmem:$0x18080] =	vst v63  }
0xd5: {  	s26 =	simm.s32 $0x9080  }
0xd6: {  	[tilespmem:s26], [sflag:$0x2] =	stream.indirect_vreg.gather [hbm4b:s6+s3], $0x80, v2, vm0, $0xb8;
	[tilespmem:$0x18080] =	vst v63  }
0xd7: {  	s26 =	simm.s32 $0x9880  }
0xd8: {  	[tilespmem:s26], [sflag:$0x2] =	stream.indirect_vreg.gather [hbm4b:s7+s3], $0x80, v2, vm0, $0xb8;
	[tilespmem:$0x18080] =	vst v63  }
0xd9: {  	s26 =	simm.s32 $0xA080  }
0xda: {  	[tilespmem:s26], [sflag:$0x2] =	stream.indirect_vreg.gather [hbm4b:s8+s3], $0x80, v2, vm0, $0xb8;
	[tilespmem:$0x18080] =	vst v63  }
0xdb: {  	_ = 	snop  }
0xdc: {  	[tilespmem:s22], [sflag:$0x2] =	stream.indirect_vreg.gather [hbm4b:s9+s3], $0x80, v2, vm0, $0xb8;
	[tilespmem:$0x18080] =	vst v63  }
0xdd: {  	s26 =	simm.s32 $0xB080  }
0xde: {  	[tilespmem:s26], [sflag:$0x2] =	stream.indirect_vreg.gather [hbm4b:s10+s3], $0x80, v2, vm0, $0xb8;
	[tilespmem:$0x18080] =	vst v63  }
0xdf: {  	s26 =	simm.s32 $0xB880  }
0xe0: {  	[tilespmem:s26], [sflag:$0x2] =	stream.indirect_vreg.gather [hbm4b:s11+s3], $0x80, v2, vm0, $0xb8;
	[tilespmem:$0x18080] =	vst v63  }
0xe1: {  	s26 =	simm.s32 $0xC080  }
0xe2: {  	[tilespmem:s26], [sflag:$0x2] =	stream.indirect_vreg.gather [hbm4b:s12+s3], $0x80, v2, vm0, $0xb8;
	[tilespmem:$0x18080] =	vst v63  }
0xe3: {  	s26 =	simm.s32 $0xC880  }
0xe4: {  	[tilespmem:s26], [sflag:$0x2] =	stream.indirect_vreg.gather [hbm4b:s13+s3], $0x80, v2, vm0, $0xb8;
	[tilespmem:$0x18080] =	vst v63  }
0xe5: {  	s26 =	simm.s32 $0xD080  }
0xe6: {  	[tilespmem:s26], [sflag:$0x2] =	stream.indirect_vreg.gather [hbm4b:s14+s3], $0x80, v2, vm0, $0xb8;
	[tilespmem:$0x18080] =	vst v63  }
0xe7: {  	s26 =	simm.s32 $0xD880  }
0xe8: {  	[tilespmem:s26], [sflag:$0x2] =	stream.indirect_vreg.gather [hbm4b:s15+s3], $0x80, v2, vm0, $0xb8;
	[tilespmem:$0x18080] =	vst v63  }
0xe9: {  	s26 =	simm.s32 $0xE080  }
0xea: {  	[tilespmem:s26], [sflag:$0x2] =	stream.indirect_vreg.gather [hbm4b:s16+s3], $0x80, v2, vm0, $0xb8;
	[tilespmem:$0x18080] =	vst v63  }
0xeb: {  	s26 =	simm.s32 $0xE880  }
0xec: {  	[tilespmem:s26], [sflag:$0x2] =	stream.indirect_vreg.gather [hbm4b:s17+s3], $0x80, v2, vm0, $0xb8;
	[tilespmem:$0x18080] =	vst v63  }
0xed: {  	s26 =	simm.s32 $0xF080  }
0xee: {  	[tilespmem:s26], [sflag:$0x2] =	stream.indirect_vreg.gather [hbm4b:s18+s3], $0x80, v2, vm0, $0xb8;
	[tilespmem:$0x18080] =	vst v63  }
0xef: {  	s26 =	simm.s32 $0xF880  }
0xf0: {  	[tilespmem:s26], [sflag:$0x2] =	stream.indirect_vreg.gather [hbm4b:s20+s3], $0x80, v2, vm0, $0xb8;
	[tilespmem:$0x18080] =	vst v63  }
0xf1: {  	_ =	swait.ge [sflag:s23], $0x8000  }
0xf2: {  	[sflag:s23] =	ssyncset.done $0x0  }
0xf3: {  	s1 =	sadd.s32 $0x4000, s1;
	[sflag:s23] =	ssyncadd.s32 $0xFFFF8000  }
0xf4: {  	[hbm4b:s1+s3] =	stream.linear.scatter [tilespmem:s30], [sflag:$0x5], $0x8000, $0x38;
	[tilespmem:$0x18080] =	vst v63  }
0xf5: {  	_ =	swait.ge [sflag:s31], $0x8000  }
0xf6: {  	[sflag:s31] =	ssyncset.done $0x0  }
0xf7: {  	[sflag:s31] =	ssyncadd.s32 $0xFFFF8000  }
0xf8: {  	v2 =	vld.msk [tilespmem:s25+$0x0], $0xff;
	_ =	sdelay $0x4  }
0xf9: {  	v3 =	vshll.u32 v2, $0x5  }
0xfa: {  	v2 =	vand.u32 $0x7, v2;
	v3 =	vand.u32 $0xFFFFFF00, v3  }
0xfb: {  	v2 =	vor.u32 v2, v3  }
0xfc: {  	v2 =	vperm.xlane v2, v0;
	_ =	sdelay $0x1  }
0xfd: {  	v2 =	vadd.s32 v1, v2;
	_ =	sdelay $0x4  }
0xfe: {  	[tilespmem:s21], [sflag:$0x3] =	stream.indirect_vreg.gather [hbm4b:s2+s3], $0x80, v2, vm0, $0xb8;
	[tilespmem:$0x18080] =	vst v63  }
0xff: {  	s21 =	simm.s32 $0x10880  }
0x100: {  	[tilespmem:s21], [sflag:$0x3] =	stream.indirect_vreg.gather [hbm4b:s5+s3], $0x80, v2, vm0, $0xb8;
	[tilespmem:$0x18080] =	vst v63  }
0x101: {  	s21 =	simm.s32 $0x11080  }
0x102: {  	[tilespmem:s21], [sflag:$0x3] =	stream.indirect_vreg.gather [hbm4b:s6+s3], $0x80, v2, vm0, $0xb8;
	[tilespmem:$0x18080] =	vst v63  }
0x103: {  	s21 =	simm.s32 $0x11880  }
0x104: {  	[tilespmem:s21], [sflag:$0x3] =	stream.indirect_vreg.gather [hbm4b:s7+s3], $0x80, v2, vm0, $0xb8;
	[tilespmem:$0x18080] =	vst v63  }
0x105: {  	s21 =	simm.s32 $0x12080  }
0x106: {  	[tilespmem:s21], [sflag:$0x3] =	stream.indirect_vreg.gather [hbm4b:s8+s3], $0x80, v2, vm0, $0xb8;
	[tilespmem:$0x18080] =	vst v63  }
0x107: {  	s21 =	simm.s32 $0x12880  }
0x108: {  	[tilespmem:s21], [sflag:$0x3] =	stream.indirect_vreg.gather [hbm4b:s9+s3], $0x80, v2, vm0, $0xb8;
	[tilespmem:$0x18080] =	vst v63  }
0x109: {  	s21 =	simm.s32 $0x13080  }
0x10a: {  	[tilespmem:s21], [sflag:$0x3] =	stream.indirect_vreg.gather [hbm4b:s10+s3], $0x80, v2, vm0, $0xb8;
	[tilespmem:$0x18080] =	vst v63  }
0x10b: {  	s21 =	simm.s32 $0x13880  }
0x10c: {  	[tilespmem:s21], [sflag:$0x3] =	stream.indirect_vreg.gather [hbm4b:s11+s3], $0x80, v2, vm0, $0xb8;
	[tilespmem:$0x18080] =	vst v63  }
0x10d: {  	s21 =	simm.s32 $0x14080  }
0x10e: {  	[tilespmem:s21], [sflag:$0x3] =	stream.indirect_vreg.gather [hbm4b:s12+s3], $0x80, v2, vm0, $0xb8;
	[tilespmem:$0x18080] =	vst v63  }
0x10f: {  	s21 =	simm.s32 $0x14880  }
0x110: {  	[tilespmem:s21], [sflag:$0x3] =	stream.indirect_vreg.gather [hbm4b:s13+s3], $0x80, v2, vm0, $0xb8;
	[tilespmem:$0x18080] =	vst v63  }
0x111: {  	s21 =	simm.s32 $0x15080  }
0x112: {  	[tilespmem:s21], [sflag:$0x3] =	stream.indirect_vreg.gather [hbm4b:s14+s3], $0x80, v2, vm0, $0xb8;
	[tilespmem:$0x18080] =	vst v63  }
0x113: {  	s21 =	simm.s32 $0x15880  }
0x114: {  	[tilespmem:s21], [sflag:$0x3] =	stream.indirect_vreg.gather [hbm4b:s15+s3], $0x80, v2, vm0, $0xb8;
	[tilespmem:$0x18080] =	vst v63  }
0x115: {  	s21 =	simm.s32 $0x16080  }
0x116: {  	[tilespmem:s21], [sflag:$0x3] =	stream.indirect_vreg.gather [hbm4b:s16+s3], $0x80, v2, vm0, $0xb8;
	[tilespmem:$0x18080] =	vst v63  }
0x117: {  	p0 =	sne.s32 s28, $0x9000;
	s21 =	simm.s32 $0x16880  }
0x118: {  	[tilespmem:s21], [sflag:$0x3] =	stream.indirect_vreg.gather [hbm4b:s17+s3], $0x80, v2, vm0, $0xb8;
	[tilespmem:$0x18080] =	vst v63  }
.Ltmp0:
0x119: {  	_ = 	snop;
	(pc) =	sbr.rel @p0 .LBB2_2-.Ltmp0, $4  }
0x11a: {  	s28 =	sadd.s32 $0x3000, s28;
	s21 =	simm.s32 $0x17080  }
0x11b: {  	[tilespmem:s21], [sflag:$0x3] =	stream.indirect_vreg.gather [hbm4b:s18+s3], $0x80, v2, vm0, $0xb8;
	[tilespmem:$0x18080] =	vst v63  }
0x11c: {  	s26 =	simm.s32 $0x10080;
	s25 =	sadd.s32 $0x18, s25;
	s21 =	simm.s32 $0x17880  }
0x11d: {  	[tilespmem:s21], [sflag:$0x3] =	stream.indirect_vreg.gather [hbm4b:s20+s3], $0x80, v2, vm0, $0xb8;
	[tilespmem:$0x18080] =	vst v63  }
0x11e: {  	_ =	swait.ge [sflag:s4], $0x8000  }
0x11f: {  	[sflag:s4] =	ssyncset.done $0x0  }
0x120: {  	s1 =	rddreg [dreg:$0x8];
	[sflag:s4] =	ssyncadd.s32 $0xFFFF8000  }
0x121: {  	[hbm4b:s1+s3] =	stream.linear.scatter [tilespmem:s26], [sflag:$0x6], $0x8000, $0x38;
	[tilespmem:$0x18080] =	vst v63  }
0x122: {  	_ =	swait.ge [sflag:s24], $0x8000  }
0x123: {  	[sflag:s24] =	ssyncset.done $0x0  }
0x124: {  	[sflag:s24] =	ssyncadd.s32 $0xFFFF8000  }
0x125: {  	v2 =	vld.msk [tilespmem:$0x78], $0xff;
	_ =	sdelay $0x4  }
0x126: {  	v3 =	vshll.u32 v2, $0x5  }
0x127: {  	v2 =	vand.u32 $0x7, v2;
	v3 =	vand.u32 $0xFFFFFF00, v3  }
0x128: {  	v2 =	vor.u32 v2, v3  }
0x129: {  	v2 =	vperm.xlane v2, v0;
	_ =	sdelay $0x1  }
0x12a: {  	v2 =	vadd.s32 v1, v2;
	_ =	sdelay $0x3  }
0x12b: {  	s22 =	simm.s32 $0x80  }
0x12c: {  	[tilespmem:s22], [sflag:$0x1] =	stream.indirect_vreg.gather [hbm4b:s2+s3], $0x80, v2, vm0, $0xb8;
	[tilespmem:$0x18080] =	vst v63  }
0x12d: {  	s25 =	simm.s32 $0x880  }
0x12e: {  	[tilespmem:s25], [sflag:$0x1] =	stream.indirect_vreg.gather [hbm4b:s5+s3], $0x80, v2, vm0, $0xb8;
	[tilespmem:$0x18080] =	vst v63  }
0x12f: {  	s21 =	simm.s32 $0x1080  }
0x130: {  	[tilespmem:s21], [sflag:$0x1] =	stream.indirect_vreg.gather [hbm4b:s6+s3], $0x80, v2, vm0, $0xb8;
	[tilespmem:$0x18080] =	vst v63  }
0x131: {  	s25 =	simm.s32 $0x1880  }
0x132: {  	[tilespmem:s25], [sflag:$0x1] =	stream.indirect_vreg.gather [hbm4b:s7+s3], $0x80, v2, vm0, $0xb8;
	[tilespmem:$0x18080] =	vst v63  }
0x133: {  	s21 =	simm.s32 $0x2080  }
0x134: {  	[tilespmem:s21], [sflag:$0x1] =	stream.indirect_vreg.gather [hbm4b:s8+s3], $0x80, v2, vm0, $0xb8;
	[tilespmem:$0x18080] =	vst v63  }
0x135: {  	s25 =	simm.s32 $0x2880  }
0x136: {  	[tilespmem:s25], [sflag:$0x1] =	stream.indirect_vreg.gather [hbm4b:s9+s3], $0x80, v2, vm0, $0xb8;
	[tilespmem:$0x18080] =	vst v63  }
0x137: {  	s21 =	simm.s32 $0x3080  }
0x138: {  	[tilespmem:s21], [sflag:$0x1] =	stream.indirect_vreg.gather [hbm4b:s10+s3], $0x80, v2, vm0, $0xb8;
	[tilespmem:$0x18080] =	vst v63  }
0x139: {  	s25 =	simm.s32 $0x3880  }
0x13a: {  	[tilespmem:s25], [sflag:$0x1] =	stream.indirect_vreg.gather [hbm4b:s11+s3], $0x80, v2, vm0, $0xb8;
	[tilespmem:$0x18080] =	vst v63  }
0x13b: {  	s21 =	simm.s32 $0x4080  }
0x13c: {  	[tilespmem:s21], [sflag:$0x1] =	stream.indirect_vreg.gather [hbm4b:s12+s3], $0x80, v2, vm0, $0xb8;
	[tilespmem:$0x18080] =	vst v63  }
0x13d: {  	s25 =	simm.s32 $0x4880  }
0x13e: {  	[tilespmem:s25], [sflag:$0x1] =	stream.indirect_vreg.gather [hbm4b:s13+s3], $0x80, v2, vm0, $0xb8;
	[tilespmem:$0x18080] =	vst v63  }
0x13f: {  	s21 =	simm.s32 $0x5080  }
0x140: {  	[tilespmem:s21], [sflag:$0x1] =	stream.indirect_vreg.gather [hbm4b:s14+s3], $0x80, v2, vm0, $0xb8;
	[tilespmem:$0x18080] =	vst v63  }
0x141: {  	s25 =	simm.s32 $0x5880  }
0x142: {  	[tilespmem:s25], [sflag:$0x1] =	stream.indirect_vreg.gather [hbm4b:s15+s3], $0x80, v2, vm0, $0xb8;
	[tilespmem:$0x18080] =	vst v63  }
0x143: {  	s21 =	simm.s32 $0x6080  }
0x144: {  	[tilespmem:s21], [sflag:$0x1] =	stream.indirect_vreg.gather [hbm4b:s16+s3], $0x80, v2, vm0, $0xb8;
	[tilespmem:$0x18080] =	vst v63  }
0x145: {  	s25 =	simm.s32 $0x6880  }
0x146: {  	[tilespmem:s25], [sflag:$0x1] =	stream.indirect_vreg.gather [hbm4b:s17+s3], $0x80, v2, vm0, $0xb8;
	[tilespmem:$0x18080] =	vst v63  }
0x147: {  	s21 =	simm.s32 $0x7080  }
0x148: {  	[tilespmem:s21], [sflag:$0x1] =	stream.indirect_vreg.gather [hbm4b:s18+s3], $0x80, v2, vm0, $0xb8;
	[tilespmem:$0x18080] =	vst v63  }
0x149: {  	s25 =	simm.s32 $0x7880  }
0x14a: {  	[tilespmem:s25], [sflag:$0x1] =	stream.indirect_vreg.gather [hbm4b:s20+s3], $0x80, v2, vm0, $0xb8;
	[tilespmem:$0x18080] =	vst v63  }
0x14b: {  	_ =	swait.ge [sflag:s0], $0x8000  }
0x14c: {  	[sflag:s0] =	ssyncset.done $0x0  }
0x14d: {  	s21 =	rddreg [dreg:$0x9];
	[sflag:s0] =	ssyncadd.s32 $0xFFFF8000  }
0x14e: {  	[hbm4b:s21+s3] =	stream.linear.scatter [tilespmem:s22], [sflag:$0x4], $0x8000, $0x38;
	[tilespmem:$0x18080] =	vst v63  }
0x14f: {  	_ =	swait.ge [sflag:s19], $0x8000  }
0x150: {  	[sflag:s19] =	ssyncset.done $0x0  }
0x151: {  	[sflag:s19] =	ssyncadd.s32 $0xFFFF8000  }
0x152: {  	_ =	swait.ge [sflag:s31], $0x8000  }
0x153: {  	[sflag:s31] =	ssyncset.done $0x0  }
0x154: {  	[sflag:s31] =	ssyncadd.s32 $0xFFFF8000  }
0x155: {  	_ =	swait.ge [sflag:s24], $0x8000  }
0x156: {  	s21 =	rddreg [dreg:$0xb]  }
0x157: {  	s25 =	rddreg [dreg:$0xa];
	s21 =	sadd.s32 $0x1, s21  }
0x158: {  	p0 =	sne.s32 s21, s25  }
.Ltmp1:
0x159: {  	_ = 	snop;
	(pc) =	sbr.rel @p0 .LBB2_1-.Ltmp1, $4  }
0x15a: {  	_ = 	snop  }
0x15b: {  	[sflag:s24] =	ssyncset.done $0x0  }
0x15c: {  	s28 =	simm.s32 $0xA880;
	s22 =	simm.s32 $0x9080;
	[sflag:s24] =	ssyncadd.s32 $0xFFFF8000  }
0x15d: {  	[dreg:$0xb] =	wrdreg s21;
	s25 =	simm.s32 $0x9880;
	s21 =	simm.s32 $0xA080  }
0x15e: {  	_ =	sfence.sel $0x180000  }
0x15f: {  	[bflag:$0x0] =	sbarrier.arrive $0xFFFF  }
0x160: {  	_ =	strace $0x90000047  }
0x161: {  	s0 =	stileid.u32;
	[bflag:$0x2] =	sbarrier.arrive $0xFFFF  }
0x162: {  	p0 =	sne.s32 s0, $0x0;
	s0 =	rddreg [dreg:$0x3]  }
0x163: {  	s0 =	sadd.s32 @!p0 $0x100000, s0  }
0x164: {  	[sflag:s0] =	ssyncadd.tile.s32 @!p0 $0x1;
	_ =	shalt  }
.Lfunc_end2:
_tile_overlayer_lowered:
.L_overlay_start_2:
0x165: {  	(tag) =	ssettag $0x2  }
0x166: {  	s0 =	rddreg [dreg:$0x0];
	s2 =	stileid.u32  }
0x167: {  	s1 =	rddreg [dreg:$0x1];
	p0 =	sne.s32 s2, $0x0  }
0x168: {  	s3 =	rddreg [dreg:$0x2];
	[bflag:$0x3] =	sbarrier.arrive $0xFFFF;
	s2 =	simm.s32 @!p0 $0x1C07  }
0x169: {  	[timem:s3], [sflag:s2] =	dma.local @!p0 [hbm:s0], s1  }
0x16a: {  	s0 =	simm.s32 @!p0 $0x7  }
0x16b: {  	_ =	swait.ge @!p0 [sflag:s0], s1  }
0x16c: {  	s1 =	ssub.s32 @!p0 $0x0, s1;
	[sflag:s0] =	ssyncset.done @!p0 $0x0  }
0x16d: {  	[sflag:s0] =	ssyncadd.s32 @!p0 s1  }
0x16e: {  	[bflag:$0x3] =	sbarrier.arrive $0xFFFF  }
0x16f: {  	_ =	shalt  }

</sc_bundles>
